<compile_context>
chip_gen: v7x
topology: tpu7x:2x2x1
jax: 0.10.2.dev20260603
libtpu: 0.0.44.dev20260713+nightly
codegen_flags: <defaults>
</compile_context>

<pallas_src>
import jax
import jax.numpy as jnp
from jax import lax
from jax.experimental import pallas as pl
from jax.experimental.pallas import tpu as pltpu
from jax.experimental.pallas import tpu_sc as plsc

N_TRACKS = 1000000
DIM = 64
BATCH = 4096
HIST = 50

NC = 2
NS = 16
NW = NC * NS
PER_W = BATCH // NW
NBUF = 8


def _gather_body(idx_hbm, table_hbm, out_hbm, idx_v, bufs, gsem, osem):
    wid = lax.axis_index("s") * NC + lax.axis_index("c")
    base = wid * PER_W

    pltpu.sync_copy(idx_hbm.at[pl.ds(pl.multiple_of(base, PER_W), PER_W)],
                    idx_v)

    def fire(c, b):
        pltpu.async_copy(table_hbm.at[idx_v.at[c]], bufs.at[b], gsem.at[b])

    for c in range(NBUF):
        fire(c, c)

    @pl.loop(0, PER_W, step=NBUF)
    def _ring(c0):
        for b in range(NBUF):
            c = c0 + b
            pltpu.make_async_copy(
                table_hbm.at[idx_v.at[c]], bufs.at[b], gsem.at[b]
            ).wait()
            pltpu.async_copy(
                bufs.at[b], out_hbm.at[base + c], osem.at[b]
            )

            @pl.when(c + NBUF < PER_W)
            def _refill():
                pltpu.make_async_copy(
                    bufs.at[b], out_hbm.at[0], osem.at[b]
                ).wait()
                fire(c + NBUF, b)

    for b in range(NBUF):
        pltpu.make_async_copy(
            bufs.at[b], out_hbm.at[0], osem.at[b]
        ).wait()


@jax.jit
def kernel(indices_, table):
    mesh = plsc.VectorSubcoreMesh(
        core_axis_name="c", subcore_axis_name="s", num_cores=NC, num_subcores=NS
    )
    return pl.kernel(
        _gather_body,
        out_type=jax.ShapeDtypeStruct((BATCH, HIST, DIM), jnp.float32),
        mesh=mesh,
        scratch_types=[
            pltpu.VMEM((PER_W, HIST), jnp.int32),
            pltpu.VMEM((NBUF, HIST, DIM), jnp.float32),
            pltpu.SemaphoreType.DMA((NBUF,)),
            pltpu.SemaphoreType.DMA((NBUF,)),
        ],
        compiler_params=pltpu.CompilerParams(use_tc_tiling_on_sc=False),
    )(indices_, table)

# --- scband reference (transcript-rebuilt; emitter-appended) ---
"""Pipeline reference for scband-large-embedding-44873818309211 (READ-ONLY COPY).

The authoritative reference and input builder live on the scoring server;
editing this copy changes nothing except your own understanding.
"""

import jax, jax.numpy as jnp
import numpy as np

N_TRACKS = 1000000
DIM_TRACK = 64
BATCH = 4096
HIST = 50

def setup_inputs(seed: int = 0) -> dict:
    key = jax.random.key(seed)
    k_idx, k_tab = jax.random.split(key)
    indices_ = jax.random.randint(k_idx, (BATCH, HIST), 0, N_TRACKS, dtype=jnp.int32)
    # Single learned table: with page_size<=0 the torch module builds one page of
    # size n_tracks, so the whole paged lookup collapses to one embedding table.
    table = jax.random.normal(k_tab, (N_TRACKS, DIM_TRACK), dtype=jnp.float32)
    return {"indices_": indices_, "table": table}

def reference(indices_, table):
    # Faithful translation of LargeEmbedding.forward with num_pages == 1:
    # flatten indices, gather rows, reshape back to [B, L, dim_track].
    flat = indices_.reshape(-1)
    y = jnp.take(table, flat, axis=0)
    return y.reshape(indices_.shape[0], indices_.shape[1], DIM_TRACK)

if __name__ == "__main__":
    import jax
    _d = setup_inputs()
    print(jax.jit(kernel)(*tuple(_d.values())))

</pallas_src>

<mosaic_0001>
#map = affine_map<(d0, d1) -> (0, 0)>
#map1 = affine_map<(d0, d1) -> (0, 0, 0)>
module attributes {stable_mosaic.version = 14 : i64} {
  func.func @_gather_body(%arg0: i32, %arg1: i32, %arg2: memref<4096x50xi32, #tpu.memory_space<hbm>>, %arg3: memref<1000000x64xf32, #tpu.memory_space<hbm>>, %arg4: memref<4096x50x64xf32, #tpu.memory_space<hbm>>, %arg5: memref<128x50xi32, #tpu.memory_space<vmem>>, %arg6: memref<8x50x64xf32, #tpu.memory_space<vmem>>, %arg7: memref<8x!tpu.dma_semaphore, #tpu.memory_space<semaphore_mem>>, %arg8: memref<8x!tpu.dma_semaphore, #tpu.memory_space<semaphore_mem>>) attributes {dimension_semantics = [#tpu.dimension_semantics<core_parallel>, #tpu.dimension_semantics<subcore_parallel>], iteration_bounds = array<i64: 2, 16>, scalar_prefetch = 0 : i64, scratch_operands = 4 : i64, tpu.core_type = #tpu.core_type<sc_vector_subcore>, window_params = [{transform_indices = #map}, {transform_indices = #map}, {transform_indices = #map1}]} {
    %mul3A = arith.constant 2 : i32
    %mul3A_0 = arith.muli %arg1, %mul3A : i32
    %add3A = arith.addi %mul3A_0, %arg0 : i32
    %mul3A_1 = arith.constant 128 : i32
    %mul3A_2 = arith.muli %add3A, %mul3A_1 : i32
    %multiple_of3A = tpu.assume_multiple %mul3A_2, 128 : i32
    "tpu.region"() ({
      %run_scoped3A = tpu.sem_alloc : memref<!tpu.dma_semaphore, #tpu.memory_space<semaphore_mem>>
      %dma_start3A_293 = arith.constant 0 : i32
      %dma_start3A_294 = tpu.memref_slice %arg2[%multiple_of3A, %dma_start3A_293] : memref<4096x50xi32, #tpu.memory_space<hbm>> -> memref<128x50xi32, #tpu.memory_space<hbm>>
      %dma_start3A_295 = arith.constant 0 : i32
      %dma_start3A_296 = tpu.memref_slice %arg2[%multiple_of3A, %dma_start3A_295] : memref<4096x50xi32, #tpu.memory_space<hbm>> -> memref<128x50xi32, #tpu.memory_space<hbm>>
      tpu.enqueue_dma source(%dma_start3A_296 : memref<128x50xi32, #tpu.memory_space<hbm>>) target(%arg5 : memref<128x50xi32, #tpu.memory_space<vmem>>) target_semaphore(%run_scoped3A : memref<!tpu.dma_semaphore, #tpu.memory_space<semaphore_mem>>)
      %dma_wait3A_297 = arith.constant 0 : i32
      %dma_wait3A_298 = tpu.memref_slice %arg2[%multiple_of3A, %dma_wait3A_297] : memref<4096x50xi32, #tpu.memory_space<hbm>> -> memref<128x50xi32, #tpu.memory_space<hbm>>
      %dma_wait3A_299 = arith.constant 0 : i32
      %dma_wait3A_300 = tpu.memref_slice %arg2[%multiple_of3A, %dma_wait3A_299] : memref<4096x50xi32, #tpu.memory_space<hbm>> -> memref<128x50xi32, #tpu.memory_space<hbm>>
      tpu.wait_dma2 semaphore(%run_scoped3A : memref<!tpu.dma_semaphore, #tpu.memory_space<semaphore_mem>>) src(%dma_wait3A_300 : memref<128x50xi32, #tpu.memory_space<hbm>>) dst(%arg5 : memref<128x50xi32, #tpu.memory_space<vmem>>)
      tpu.yield
    }) : () -> ()
    %dma_start3A = arith.constant 0 : i32
    %dma_start3A_3 = arith.constant 0 : i32
    %dma_start3A_4 = arith.constant 0 : i32
    %dma_start3A_5 = arith.constant 0 : i32
    %dma_start3A_6 = arith.constant 0 : i32
    %dma_start3A_7 = tpu.memref_slice %arg6[%dma_start3A_3, %dma_start3A_5, %dma_start3A_6] : memref<8x50x64xf32, #tpu.memory_space<vmem>> -> memref<1x50x64xf32, #tpu.memory_space<vmem>>
    %dma_start3A_8 = tpu.memref_squeeze %dma_start3A_7 : memref<1x50x64xf32, #tpu.memory_space<vmem>> -> memref<50x64xf32, #tpu.memory_space<vmem>>
    %dma_start3A_9 = arith.constant 0 : i32
    %dma_start3A_10 = tpu.memref_slice %arg5[%dma_start3A, %dma_start3A_9] : memref<128x50xi32, #tpu.memory_space<vmem>> -> memref<1x50xi32, #tpu.memory_space<vmem>>
    %dma_start3A_11 = tpu.memref_squeeze %dma_start3A_10 : memref<1x50xi32, #tpu.memory_space<vmem>> -> memref<50xi32, #tpu.memory_space<vmem>>
    %dma_start3A_12 = arith.constant 0 : i32
    %dma_start3A_13 = arith.constant 0 : i32
    %dma_start3A_14 = tpu.memref_slice %arg3[%dma_start3A_12, %dma_start3A_13] : memref<1000000x64xf32, #tpu.memory_space<hbm>> -> memref<1000000x64xf32, #tpu.memory_space<hbm>>
    %dma_start3A_15 = tpu.memref_slice %arg7[%dma_start3A_4] : memref<8x!tpu.dma_semaphore, #tpu.memory_space<semaphore_mem>> -> memref<1x!tpu.dma_semaphore, #tpu.memory_space<semaphore_mem>>
    %dma_start3A_16 = tpu.memref_squeeze %dma_start3A_15 : memref<1x!tpu.dma_semaphore, #tpu.memory_space<semaphore_mem>> -> memref<!tpu.dma_semaphore, #tpu.memory_space<semaphore_mem>>
    tpu.enqueue_indirect_dma source(%dma_start3A_14 : memref<1000000x64xf32, #tpu.memory_space<hbm>>) target(%dma_start3A_8 : memref<50x64xf32, #tpu.memory_space<vmem>>) offsets(%dma_start3A_11 : memref<50xi32, #tpu.memory_space<vmem>>) semaphore(%dma_start3A_16 : memref<!tpu.dma_semaphore, #tpu.memory_space<semaphore_mem>>)
    %dma_start3A_17 = arith.constant 1 : i32
    %dma_start3A_18 = arith.constant 1 : i32
    %dma_start3A_19 = arith.constant 1 : i32
    %dma_start3A_20 = arith.constant 0 : i32
    %dma_start3A_21 = arith.constant 0 : i32
    %dma_start3A_22 = tpu.memref_slice %arg6[%dma_start3A_18, %dma_start3A_20, %dma_start3A_21] : memref<8x50x64xf32, #tpu.memory_space<vmem>> -> memref<1x50x64xf32, #tpu.memory_space<vmem>>
    %dma_start3A_23 = tpu.memref_squeeze %dma_start3A_22 : memref<1x50x64xf32, #tpu.memory_space<vmem>> -> memref<50x64xf32, #tpu.memory_space<vmem>>
    %dma_start3A_24 = arith.constant 0 : i32
    %dma_start3A_25 = tpu.memref_slice %arg5[%dma_start3A_17, %dma_start3A_24] : memref<128x50xi32, #tpu.memory_space<vmem>> -> memref<1x50xi32, #tpu.memory_space<vmem>>
    %dma_start3A_26 = tpu.memref_squeeze %dma_start3A_25 : memref<1x50xi32, #tpu.memory_space<vmem>> -> memref<50xi32, #tpu.memory_space<vmem>>
    %dma_start3A_27 = arith.constant 0 : i32
    %dma_start3A_28 = arith.constant 0 : i32
    %dma_start3A_29 = tpu.memref_slice %arg3[%dma_start3A_27, %dma_start3A_28] : memref<1000000x64xf32, #tpu.memory_space<hbm>> -> memref<1000000x64xf32, #tpu.memory_space<hbm>>
    %dma_start3A_30 = tpu.memref_slice %arg7[%dma_start3A_19] : memref<8x!tpu.dma_semaphore, #tpu.memory_space<semaphore_mem>> -> memref<1x!tpu.dma_semaphore, #tpu.memory_space<semaphore_mem>>
    %dma_start3A_31 = tpu.memref_squeeze %dma_start3A_30 : memref<1x!tpu.dma_semaphore, #tpu.memory_space<semaphore_mem>> -> memref<!tpu.dma_semaphore, #tpu.memory_space<semaphore_mem>>
    tpu.enqueue_indirect_dma source(%dma_start3A_29 : memref<1000000x64xf32, #tpu.memory_space<hbm>>) target(%dma_start3A_23 : memref<50x64xf32, #tpu.memory_space<vmem>>) offsets(%dma_start3A_26 : memref<50xi32, #tpu.memory_space<vmem>>) semaphore(%dma_start3A_31 : memref<!tpu.dma_semaphore, #tpu.memory_space<semaphore_mem>>)
    %dma_start3A_32 = arith.constant 2 : i32
    %dma_start3A_33 = arith.constant 2 : i32
    %dma_start3A_34 = arith.constant 2 : i32
    %dma_start3A_35 = arith.constant 0 : i32
    %dma_start3A_36 = arith.constant 0 : i32
    %dma_start3A_37 = tpu.memref_slice %arg6[%dma_start3A_33, %dma_start3A_35, %dma_start3A_36] : memref<8x50x64xf32, #tpu.memory_space<vmem>> -> memref<1x50x64xf32, #tpu.memory_space<vmem>>
    %dma_start3A_38 = tpu.memref_squeeze %dma_start3A_37 : memref<1x50x64xf32, #tpu.memory_space<vmem>> -> memref<50x64xf32, #tpu.memory_space<vmem>>
    %dma_start3A_39 = arith.constant 0 : i32
    %dma_start3A_40 = tpu.memref_slice %arg5[%dma_start3A_32, %dma_start3A_39] : memref<128x50xi32, #tpu.memory_space<vmem>> -> memref<1x50xi32, #tpu.memory_space<vmem>>
    %dma_start3A_41 = tpu.memref_squeeze %dma_start3A_40 : memref<1x50xi32, #tpu.memory_space<vmem>> -> memref<50xi32, #tpu.memory_space<vmem>>
    %dma_start3A_42 = arith.constant 0 : i32
    %dma_start3A_43 = arith.constant 0 : i32
    %dma_start3A_44 = tpu.memref_slice %arg3[%dma_start3A_42, %dma_start3A_43] : memref<1000000x64xf32, #tpu.memory_space<hbm>> -> memref<1000000x64xf32, #tpu.memory_space<hbm>>
    %dma_start3A_45 = tpu.memref_slice %arg7[%dma_start3A_34] : memref<8x!tpu.dma_semaphore, #tpu.memory_space<semaphore_mem>> -> memref<1x!tpu.dma_semaphore, #tpu.memory_space<semaphore_mem>>
    %dma_start3A_46 = tpu.memref_squeeze %dma_start3A_45 : memref<1x!tpu.dma_semaphore, #tpu.memory_space<semaphore_mem>> -> memref<!tpu.dma_semaphore, #tpu.memory_space<semaphore_mem>>
    tpu.enqueue_indirect_dma source(%dma_start3A_44 : memref<1000000x64xf32, #tpu.memory_space<hbm>>) target(%dma_start3A_38 : memref<50x64xf32, #tpu.memory_space<vmem>>) offsets(%dma_start3A_41 : memref<50xi32, #tpu.memory_space<vmem>>) semaphore(%dma_start3A_46 : memref<!tpu.dma_semaphore, #tpu.memory_space<semaphore_mem>>)
    %dma_start3A_47 = arith.constant 3 : i32
    %dma_start3A_48 = arith.constant 3 : i32
    %dma_start3A_49 = arith.constant 3 : i32
    %dma_start3A_50 = arith.constant 0 : i32
    %dma_start3A_51 = arith.constant 0 : i32
    %dma_start3A_52 = tpu.memref_slice %arg6[%dma_start3A_48, %dma_start3A_50, %dma_start3A_51] : memref<8x50x64xf32, #tpu.memory_space<vmem>> -> memref<1x50x64xf32, #tpu.memory_space<vmem>>
    %dma_start3A_53 = tpu.memref_squeeze %dma_start3A_52 : memref<1x50x64xf32, #tpu.memory_space<vmem>> -> memref<50x64xf32, #tpu.memory_space<vmem>>
    %dma_start3A_54 = arith.constant 0 : i32
    %dma_start3A_55 = tpu.memref_slice %arg5[%dma_start3A_47, %dma_start3A_54] : memref<128x50xi32, #tpu.memory_space<vmem>> -> memref<1x50xi32, #tpu.memory_space<vmem>>
    %dma_start3A_56 = tpu.memref_squeeze %dma_start3A_55 : memref<1x50xi32, #tpu.memory_space<vmem>> -> memref<50xi32, #tpu.memory_space<vmem>>
    %dma_start3A_57 = arith.constant 0 : i32
    %dma_start3A_58 = arith.constant 0 : i32
    %dma_start3A_59 = tpu.memref_slice %arg3[%dma_start3A_57, %dma_start3A_58] : memref<1000000x64xf32, #tpu.memory_space<hbm>> -> memref<1000000x64xf32, #tpu.memory_space<hbm>>
    %dma_start3A_60 = tpu.memref_slice %arg7[%dma_start3A_49] : memref<8x!tpu.dma_semaphore, #tpu.memory_space<semaphore_mem>> -> memref<1x!tpu.dma_semaphore, #tpu.memory_space<semaphore_mem>>
    %dma_start3A_61 = tpu.memref_squeeze %dma_start3A_60 : memref<1x!tpu.dma_semaphore, #tpu.memory_space<semaphore_mem>> -> memref<!tpu.dma_semaphore, #tpu.memory_space<semaphore_mem>>
    tpu.enqueue_indirect_dma source(%dma_start3A_59 : memref<1000000x64xf32, #tpu.memory_space<hbm>>) target(%dma_start3A_53 : memref<50x64xf32, #tpu.memory_space<vmem>>) offsets(%dma_start3A_56 : memref<50xi32, #tpu.memory_space<vmem>>) semaphore(%dma_start3A_61 : memref<!tpu.dma_semaphore, #tpu.memory_space<semaphore_mem>>)
    %dma_start3A_62 = arith.constant 4 : i32
    %dma_start3A_63 = arith.constant 4 : i32
    %dma_start3A_64 = arith.constant 4 : i32
    %dma_start3A_65 = arith.constant 0 : i32
    %dma_start3A_66 = arith.constant 0 : i32
    %dma_start3A_67 = tpu.memref_slice %arg6[%dma_start3A_63, %dma_start3A_65, %dma_start3A_66] : memref<8x50x64xf32, #tpu.memory_space<vmem>> -> memref<1x50x64xf32, #tpu.memory_space<vmem>>
    %dma_start3A_68 = tpu.memref_squeeze %dma_start3A_67 : memref<1x50x64xf32, #tpu.memory_space<vmem>> -> memref<50x64xf32, #tpu.memory_space<vmem>>
    %dma_start3A_69 = arith.constant 0 : i32
    %dma_start3A_70 = tpu.memref_slice %arg5[%dma_start3A_62, %dma_start3A_69] : memref<128x50xi32, #tpu.memory_space<vmem>> -> memref<1x50xi32, #tpu.memory_space<vmem>>
    %dma_start3A_71 = tpu.memref_squeeze %dma_start3A_70 : memref<1x50xi32, #tpu.memory_space<vmem>> -> memref<50xi32, #tpu.memory_space<vmem>>
    %dma_start3A_72 = arith.constant 0 : i32
    %dma_start3A_73 = arith.constant 0 : i32
    %dma_start3A_74 = tpu.memref_slice %arg3[%dma_start3A_72, %dma_start3A_73] : memref<1000000x64xf32, #tpu.memory_space<hbm>> -> memref<1000000x64xf32, #tpu.memory_space<hbm>>
    %dma_start3A_75 = tpu.memref_slice %arg7[%dma_start3A_64] : memref<8x!tpu.dma_semaphore, #tpu.memory_space<semaphore_mem>> -> memref<1x!tpu.dma_semaphore, #tpu.memory_space<semaphore_mem>>
    %dma_start3A_76 = tpu.memref_squeeze %dma_start3A_75 : memref<1x!tpu.dma_semaphore, #tpu.memory_space<semaphore_mem>> -> memref<!tpu.dma_semaphore, #tpu.memory_space<semaphore_mem>>
    tpu.enqueue_indirect_dma source(%dma_start3A_74 : memref<1000000x64xf32, #tpu.memory_space<hbm>>) target(%dma_start3A_68 : memref<50x64xf32, #tpu.memory_space<vmem>>) offsets(%dma_start3A_71 : memref<50xi32, #tpu.memory_space<vmem>>) semaphore(%dma_start3A_76 : memref<!tpu.dma_semaphore, #tpu.memory_space<semaphore_mem>>)
    %dma_start3A_77 = arith.constant 5 : i32
    %dma_start3A_78 = arith.constant 5 : i32
    %dma_start3A_79 = arith.constant 5 : i32
    %dma_start3A_80 = arith.constant 0 : i32
    %dma_start3A_81 = arith.constant 0 : i32
    %dma_start3A_82 = tpu.memref_slice %arg6[%dma_start3A_78, %dma_start3A_80, %dma_start3A_81] : memref<8x50x64xf32, #tpu.memory_space<vmem>> -> memref<1x50x64xf32, #tpu.memory_space<vmem>>
    %dma_start3A_83 = tpu.memref_squeeze %dma_start3A_82 : memref<1x50x64xf32, #tpu.memory_space<vmem>> -> memref<50x64xf32, #tpu.memory_space<vmem>>
    %dma_start3A_84 = arith.constant 0 : i32
    %dma_start3A_85 = tpu.memref_slice %arg5[%dma_start3A_77, %dma_start3A_84] : memref<128x50xi32, #tpu.memory_space<vmem>> -> memref<1x50xi32, #tpu.memory_space<vmem>>
    %dma_start3A_86 = tpu.memref_squeeze %dma_start3A_85 : memref<1x50xi32, #tpu.memory_space<vmem>> -> memref<50xi32, #tpu.memory_space<vmem>>
    %dma_start3A_87 = arith.constant 0 : i32
    %dma_start3A_88 = arith.constant 0 : i32
    %dma_start3A_89 = tpu.memref_slice %arg3[%dma_start3A_87, %dma_start3A_88] : memref<1000000x64xf32, #tpu.memory_space<hbm>> -> memref<1000000x64xf32, #tpu.memory_space<hbm>>
    %dma_start3A_90 = tpu.memref_slice %arg7[%dma_start3A_79] : memref<8x!tpu.dma_semaphore, #tpu.memory_space<semaphore_mem>> -> memref<1x!tpu.dma_semaphore, #tpu.memory_space<semaphore_mem>>
    %dma_start3A_91 = tpu.memref_squeeze %dma_start3A_90 : memref<1x!tpu.dma_semaphore, #tpu.memory_space<semaphore_mem>> -> memref<!tpu.dma_semaphore, #tpu.memory_space<semaphore_mem>>
    tpu.enqueue_indirect_dma source(%dma_start3A_89 : memref<1000000x64xf32, #tpu.memory_space<hbm>>) target(%dma_start3A_83 : memref<50x64xf32, #tpu.memory_space<vmem>>) offsets(%dma_start3A_86 : memref<50xi32, #tpu.memory_space<vmem>>) semaphore(%dma_start3A_91 : memref<!tpu.dma_semaphore, #tpu.memory_space<semaphore_mem>>)
    %dma_start3A_92 = arith.constant 6 : i32
    %dma_start3A_93 = arith.constant 6 : i32
    %dma_start3A_94 = arith.constant 6 : i32
    %dma_start3A_95 = arith.constant 0 : i32
    %dma_start3A_96 = arith.constant 0 : i32
    %dma_start3A_97 = tpu.memref_slice %arg6[%dma_start3A_93, %dma_start3A_95, %dma_start3A_96] : memref<8x50x64xf32, #tpu.memory_space<vmem>> -> memref<1x50x64xf32, #tpu.memory_space<vmem>>
    %dma_start3A_98 = tpu.memref_squeeze %dma_start3A_97 : memref<1x50x64xf32, #tpu.memory_space<vmem>> -> memref<50x64xf32, #tpu.memory_space<vmem>>
    %dma_start3A_99 = arith.constant 0 : i32
    %dma_start3A_100 = tpu.memref_slice %arg5[%dma_start3A_92, %dma_start3A_99] : memref<128x50xi32, #tpu.memory_space<vmem>> -> memref<1x50xi32, #tpu.memory_space<vmem>>
    %dma_start3A_101 = tpu.memref_squeeze %dma_start3A_100 : memref<1x50xi32, #tpu.memory_space<vmem>> -> memref<50xi32, #tpu.memory_space<vmem>>
    %dma_start3A_102 = arith.constant 0 : i32
    %dma_start3A_103 = arith.constant 0 : i32
    %dma_start3A_104 = tpu.memref_slice %arg3[%dma_start3A_102, %dma_start3A_103] : memref<1000000x64xf32, #tpu.memory_space<hbm>> -> memref<1000000x64xf32, #tpu.memory_space<hbm>>
    %dma_start3A_105 = tpu.memref_slice %arg7[%dma_start3A_94] : memref<8x!tpu.dma_semaphore, #tpu.memory_space<semaphore_mem>> -> memref<1x!tpu.dma_semaphore, #tpu.memory_space<semaphore_mem>>
    %dma_start3A_106 = tpu.memref_squeeze %dma_start3A_105 : memref<1x!tpu.dma_semaphore, #tpu.memory_space<semaphore_mem>> -> memref<!tpu.dma_semaphore, #tpu.memory_space<semaphore_mem>>
    tpu.enqueue_indirect_dma source(%dma_start3A_104 : memref<1000000x64xf32, #tpu.memory_space<hbm>>) target(%dma_start3A_98 : memref<50x64xf32, #tpu.memory_space<vmem>>) offsets(%dma_start3A_101 : memref<50xi32, #tpu.memory_space<vmem>>) semaphore(%dma_start3A_106 : memref<!tpu.dma_semaphore, #tpu.memory_space<semaphore_mem>>)
    %dma_start3A_107 = arith.constant 7 : i32
    %dma_start3A_108 = arith.constant 7 : i32
    %dma_start3A_109 = arith.constant 7 : i32
    %dma_start3A_110 = arith.constant 0 : i32
    %dma_start3A_111 = arith.constant 0 : i32
    %dma_start3A_112 = tpu.memref_slice %arg6[%dma_start3A_108, %dma_start3A_110, %dma_start3A_111] : memref<8x50x64xf32, #tpu.memory_space<vmem>> -> memref<1x50x64xf32, #tpu.memory_space<vmem>>
    %dma_start3A_113 = tpu.memref_squeeze %dma_start3A_112 : memref<1x50x64xf32, #tpu.memory_space<vmem>> -> memref<50x64xf32, #tpu.memory_space<vmem>>
    %dma_start3A_114 = arith.constant 0 : i32
    %dma_start3A_115 = tpu.memref_slice %arg5[%dma_start3A_107, %dma_start3A_114] : memref<128x50xi32, #tpu.memory_space<vmem>> -> memref<1x50xi32, #tpu.memory_space<vmem>>
    %dma_start3A_116 = tpu.memref_squeeze %dma_start3A_115 : memref<1x50xi32, #tpu.memory_space<vmem>> -> memref<50xi32, #tpu.memory_space<vmem>>
    %dma_start3A_117 = arith.constant 0 : i32
    %dma_start3A_118 = arith.constant 0 : i32
    %dma_start3A_119 = tpu.memref_slice %arg3[%dma_start3A_117, %dma_start3A_118] : memref<1000000x64xf32, #tpu.memory_space<hbm>> -> memref<1000000x64xf32, #tpu.memory_space<hbm>>
    %dma_start3A_120 = tpu.memref_slice %arg7[%dma_start3A_109] : memref<8x!tpu.dma_semaphore, #tpu.memory_space<semaphore_mem>> -> memref<1x!tpu.dma_semaphore, #tpu.memory_space<semaphore_mem>>
    %dma_start3A_121 = tpu.memref_squeeze %dma_start3A_120 : memref<1x!tpu.dma_semaphore, #tpu.memory_space<semaphore_mem>> -> memref<!tpu.dma_semaphore, #tpu.memory_space<semaphore_mem>>
    tpu.enqueue_indirect_dma source(%dma_start3A_119 : memref<1000000x64xf32, #tpu.memory_space<hbm>>) target(%dma_start3A_113 : memref<50x64xf32, #tpu.memory_space<vmem>>) offsets(%dma_start3A_116 : memref<50xi32, #tpu.memory_space<vmem>>) semaphore(%dma_start3A_121 : memref<!tpu.dma_semaphore, #tpu.memory_space<semaphore_mem>>)
    %scan3A = arith.constant 0 : i32
    %scan3A_122 = arith.constant 16 : i32
    %scan3A_123 = arith.addi %scan3A, %scan3A_122 : i32
    %scan3A_124 = arith.constant 1 : i32
    scf.for %scan3A_293 = %scan3A to %scan3A_123 step %scan3A_124  : i32 {
      %mul3A_294 = arith.constant 8 : i32
      %mul3A_295 = arith.muli %scan3A_293, %mul3A_294 : i32
      %add3A_296 = arith.constant 0 : i32
      %add3A_297 = arith.addi %add3A_296, %mul3A_295 : i32
      %add3A_298 = arith.constant 0 : i32
      %add3A_299 = arith.addi %add3A_297, %add3A_298 : i32
      %dma_wait3A_300 = arith.constant 0 : i32
      %dma_wait3A_301 = arith.constant 0 : i32
      %dma_wait3A_302 = arith.constant 0 : i32
      %dma_wait3A_303 = arith.constant 0 : i32
      %dma_wait3A_304 = tpu.memref_slice %arg6[%dma_wait3A_300, %dma_wait3A_302, %dma_wait3A_303] : memref<8x50x64xf32, #tpu.memory_space<vmem>> -> memref<1x50x64xf32, #tpu.memory_space<vmem>>
      %dma_wait3A_305 = tpu.memref_squeeze %dma_wait3A_304 : memref<1x50x64xf32, #tpu.memory_space<vmem>> -> memref<50x64xf32, #tpu.memory_space<vmem>>
      %dma_wait3A_306 = arith.constant 0 : i32
      %dma_wait3A_307 = tpu.memref_slice %arg5[%add3A_299, %dma_wait3A_306] : memref<128x50xi32, #tpu.memory_space<vmem>> -> memref<1x50xi32, #tpu.memory_space<vmem>>
      %dma_wait3A_308 = tpu.memref_squeeze %dma_wait3A_307 : memref<1x50xi32, #tpu.memory_space<vmem>> -> memref<50xi32, #tpu.memory_space<vmem>>
      %dma_wait3A_309 = arith.constant 0 : i32
      %dma_wait3A_310 = arith.constant 0 : i32
      %dma_wait3A_311 = tpu.memref_slice %arg3[%dma_wait3A_309, %dma_wait3A_310] : memref<1000000x64xf32, #tpu.memory_space<hbm>> -> memref<1000000x64xf32, #tpu.memory_space<hbm>>
      %dma_wait3A_312 = tpu.memref_slice %arg7[%dma_wait3A_301] : memref<8x!tpu.dma_semaphore, #tpu.memory_space<semaphore_mem>> -> memref<1x!tpu.dma_semaphore, #tpu.memory_space<semaphore_mem>>
      %dma_wait3A_313 = tpu.memref_squeeze %dma_wait3A_312 : memref<1x!tpu.dma_semaphore, #tpu.memory_space<semaphore_mem>> -> memref<!tpu.dma_semaphore, #tpu.memory_space<semaphore_mem>>
      tpu.wait_indirect_dma semaphore(%dma_wait3A_313 : memref<!tpu.dma_semaphore, #tpu.memory_space<semaphore_mem>>) src(%dma_wait3A_311 : memref<1000000x64xf32, #tpu.memory_space<hbm>>) dst(%dma_wait3A_305 : memref<50x64xf32, #tpu.memory_space<vmem>>)
      %add3A_314 = arith.addi %mul3A_2, %add3A_299 : i32
      %dma_start3A_315 = arith.constant 0 : i32
      %dma_start3A_316 = arith.constant 0 : i32
      %dma_start3A_317 = arith.constant 0 : i32
      %dma_start3A_318 = arith.constant 0 : i32
      %dma_start3A_319 = tpu.memref_slice %arg6[%dma_start3A_315, %dma_start3A_317, %dma_start3A_318] : memref<8x50x64xf32, #tpu.memory_space<vmem>> -> memref<1x50x64xf32, #tpu.memory_space<vmem>>
      %dma_start3A_320 = tpu.memref_squeeze %dma_start3A_319 : memref<1x50x64xf32, #tpu.memory_space<vmem>> -> memref<50x64xf32, #tpu.memory_space<vmem>>
      %dma_start3A_321 = arith.constant 0 : i32
      %dma_start3A_322 = arith.constant 0 : i32
      %dma_start3A_323 = tpu.memref_slice %arg4[%add3A_314, %dma_start3A_321, %dma_start3A_322] : memref<4096x50x64xf32, #tpu.memory_space<hbm>> -> memref<1x50x64xf32, #tpu.memory_space<hbm>>
      %dma_start3A_324 = tpu.memref_squeeze %dma_start3A_323 : memref<1x50x64xf32, #tpu.memory_space<hbm>> -> memref<50x64xf32, #tpu.memory_space<hbm>>
      %dma_start3A_325 = tpu.memref_slice %arg8[%dma_start3A_316] : memref<8x!tpu.dma_semaphore, #tpu.memory_space<semaphore_mem>> -> memref<1x!tpu.dma_semaphore, #tpu.memory_space<semaphore_mem>>
      %dma_start3A_326 = tpu.memref_squeeze %dma_start3A_325 : memref<1x!tpu.dma_semaphore, #tpu.memory_space<semaphore_mem>> -> memref<!tpu.dma_semaphore, #tpu.memory_space<semaphore_mem>>
      %dma_start3A_327 = arith.constant 0 : i32
      %dma_start3A_328 = arith.constant 0 : i32
      %dma_start3A_329 = tpu.memref_slice %arg4[%add3A_314, %dma_start3A_327, %dma_start3A_328] : memref<4096x50x64xf32, #tpu.memory_space<hbm>> -> memref<1x50x64xf32, #tpu.memory_space<hbm>>
      %dma_start3A_330 = tpu.memref_squeeze %dma_start3A_329 : memref<1x50x64xf32, #tpu.memory_space<hbm>> -> memref<50x64xf32, #tpu.memory_space<hbm>>
      %dma_start3A_331 = arith.constant 0 : i32
      %dma_start3A_332 = arith.constant 0 : i32
      %dma_start3A_333 = tpu.memref_slice %arg6[%dma_start3A_315, %dma_start3A_331, %dma_start3A_332] : memref<8x50x64xf32, #tpu.memory_space<vmem>> -> memref<1x50x64xf32, #tpu.memory_space<vmem>>
      %dma_start3A_334 = tpu.memref_squeeze %dma_start3A_333 : memref<1x50x64xf32, #tpu.memory_space<vmem>> -> memref<50x64xf32, #tpu.memory_space<vmem>>
      tpu.enqueue_dma source(%dma_start3A_334 : memref<50x64xf32, #tpu.memory_space<vmem>>) target(%dma_start3A_330 : memref<50x64xf32, #tpu.memory_space<hbm>>) target_semaphore(%dma_start3A_326 : memref<!tpu.dma_semaphore, #tpu.memory_space<semaphore_mem>>)
      %add3A_335 = arith.constant 8 : i32
      %add3A_336 = arith.addi %add3A_299, %add3A_335 : i32
      %lt3A = arith.constant 128 : i32
      %lt3A_337 = arith.cmpi slt, %add3A_336, %lt3A : i32
      %convert_element_type3A = arith.extui %lt3A_337 : i1 to i32
      %cond3A = arith.constant 0 : i32
      %cond3A_338 = arith.cmpi ne, %convert_element_type3A, %cond3A : i32
      scf.if %cond3A_338 {
        %dma_wait3A_647 = arith.constant 0 : i32
        %dma_wait3A_648 = arith.constant 0 : i32
        %dma_wait3A_649 = arith.constant 0 : i32
        %dma_wait3A_650 = arith.constant 0 : i32
        %dma_wait3A_651 = arith.constant 0 : i32
        %dma_wait3A_652 = tpu.memref_slice %arg6[%dma_wait3A_647, %dma_wait3A_650, %dma_wait3A_651] : memref<8x50x64xf32, #tpu.memory_space<vmem>> -> memref<1x50x64xf32, #tpu.memory_space<vmem>>
        %dma_wait3A_653 = tpu.memref_squeeze %dma_wait3A_652 : memref<1x50x64xf32, #tpu.memory_space<vmem>> -> memref<50x64xf32, #tpu.memory_space<vmem>>
        %dma_wait3A_654 = arith.constant 0 : i32
        %dma_wait3A_655 = arith.constant 0 : i32
        %dma_wait3A_656 = tpu.memref_slice %arg4[%dma_wait3A_648, %dma_wait3A_654, %dma_wait3A_655] : memref<4096x50x64xf32, #tpu.memory_space<hbm>> -> memref<1x50x64xf32, #tpu.memory_space<hbm>>
        %dma_wait3A_657 = tpu.memref_squeeze %dma_wait3A_656 : memref<1x50x64xf32, #tpu.memory_space<hbm>> -> memref<50x64xf32, #tpu.memory_space<hbm>>
        %dma_wait3A_658 = tpu.memref_slice %arg8[%dma_wait3A_649] : memref<8x!tpu.dma_semaphore, #tpu.memory_space<semaphore_mem>> -> memref<1x!tpu.dma_semaphore, #tpu.memory_space<semaphore_mem>>
        %dma_wait3A_659 = tpu.memref_squeeze %dma_wait3A_658 : memref<1x!tpu.dma_semaphore, #tpu.memory_space<semaphore_mem>> -> memref<!tpu.dma_semaphore, #tpu.memory_space<semaphore_mem>>
        %dma_wait3A_660 = arith.constant 0 : i32
        %dma_wait3A_661 = arith.constant 0 : i32
        %dma_wait3A_662 = tpu.memref_slice %arg4[%dma_wait3A_648, %dma_wait3A_660, %dma_wait3A_661] : memref<4096x50x64xf32, #tpu.memory_space<hbm>> -> memref<1x50x64xf32, #tpu.memory_space<hbm>>
        %dma_wait3A_663 = tpu.memref_squeeze %dma_wait3A_662 : memref<1x50x64xf32, #tpu.memory_space<hbm>> -> memref<50x64xf32, #tpu.memory_space<hbm>>
        %dma_wait3A_664 = arith.constant 0 : i32
        %dma_wait3A_665 = arith.constant 0 : i32
        %dma_wait3A_666 = tpu.memref_slice %arg6[%dma_wait3A_647, %dma_wait3A_664, %dma_wait3A_665] : memref<8x50x64xf32, #tpu.memory_space<vmem>> -> memref<1x50x64xf32, #tpu.memory_space<vmem>>
        %dma_wait3A_667 = tpu.memref_squeeze %dma_wait3A_666 : memref<1x50x64xf32, #tpu.memory_space<vmem>> -> memref<50x64xf32, #tpu.memory_space<vmem>>
        tpu.wait_dma2 semaphore(%dma_wait3A_659 : memref<!tpu.dma_semaphore, #tpu.memory_space<semaphore_mem>>) src(%dma_wait3A_667 : memref<50x64xf32, #tpu.memory_space<vmem>>) dst(%dma_wait3A_663 : memref<50x64xf32, #tpu.memory_space<hbm>>)
        %add3A_668 = arith.constant 8 : i32
        %add3A_669 = arith.addi %add3A_299, %add3A_668 : i32
        %dma_start3A_670 = arith.constant 0 : i32
        %dma_start3A_671 = arith.constant 0 : i32
        %dma_start3A_672 = arith.constant 0 : i32
        %dma_start3A_673 = arith.constant 0 : i32
        %dma_start3A_674 = tpu.memref_slice %arg6[%dma_start3A_670, %dma_start3A_672, %dma_start3A_673] : memref<8x50x64xf32, #tpu.memory_space<vmem>> -> memref<1x50x64xf32, #tpu.memory_space<vmem>>
        %dma_start3A_675 = tpu.memref_squeeze %dma_start3A_674 : memref<1x50x64xf32, #tpu.memory_space<vmem>> -> memref<50x64xf32, #tpu.memory_space<vmem>>
        %dma_start3A_676 = arith.constant 0 : i32
        %dma_start3A_677 = tpu.memref_slice %arg5[%add3A_669, %dma_start3A_676] : memref<128x50xi32, #tpu.memory_space<vmem>> -> memref<1x50xi32, #tpu.memory_space<vmem>>
        %dma_start3A_678 = tpu.memref_squeeze %dma_start3A_677 : memref<1x50xi32, #tpu.memory_space<vmem>> -> memref<50xi32, #tpu.memory_space<vmem>>
        %dma_start3A_679 = arith.constant 0 : i32
        %dma_start3A_680 = arith.constant 0 : i32
        %dma_start3A_681 = tpu.memref_slice %arg3[%dma_start3A_679, %dma_start3A_680] : memref<1000000x64xf32, #tpu.memory_space<hbm>> -> memref<1000000x64xf32, #tpu.memory_space<hbm>>
        %dma_start3A_682 = tpu.memref_slice %arg7[%dma_start3A_671] : memref<8x!tpu.dma_semaphore, #tpu.memory_space<semaphore_mem>> -> memref<1x!tpu.dma_semaphore, #tpu.memory_space<semaphore_mem>>
        %dma_start3A_683 = tpu.memref_squeeze %dma_start3A_682 : memref<1x!tpu.dma_semaphore, #tpu.memory_space<semaphore_mem>> -> memref<!tpu.dma_semaphore, #tpu.memory_space<semaphore_mem>>
        tpu.enqueue_indirect_dma source(%dma_start3A_681 : memref<1000000x64xf32, #tpu.memory_space<hbm>>) target(%dma_start3A_675 : memref<50x64xf32, #tpu.memory_space<vmem>>) offsets(%dma_start3A_678 : memref<50xi32, #tpu.memory_space<vmem>>) semaphore(%dma_start3A_683 : memref<!tpu.dma_semaphore, #tpu.memory_space<semaphore_mem>>)
      } else {
      }
      %add3A_339 = arith.constant 1 : i32
      %add3A_340 = arith.addi %add3A_297, %add3A_339 : i32
      %dma_wait3A_341 = arith.constant 1 : i32
      %dma_wait3A_342 = arith.constant 1 : i32
      %dma_wait3A_343 = arith.constant 0 : i32
      %dma_wait3A_344 = arith.constant 0 : i32
      %dma_wait3A_345 = tpu.memref_slice %arg6[%dma_wait3A_341, %dma_wait3A_343, %dma_wait3A_344] : memref<8x50x64xf32, #tpu.memory_space<vmem>> -> memref<1x50x64xf32, #tpu.memory_space<vmem>>
      %dma_wait3A_346 = tpu.memref_squeeze %dma_wait3A_345 : memref<1x50x64xf32, #tpu.memory_space<vmem>> -> memref<50x64xf32, #tpu.memory_space<vmem>>
      %dma_wait3A_347 = arith.constant 0 : i32
      %dma_wait3A_348 = tpu.memref_slice %arg5[%add3A_340, %dma_wait3A_347] : memref<128x50xi32, #tpu.memory_space<vmem>> -> memref<1x50xi32, #tpu.memory_space<vmem>>
      %dma_wait3A_349 = tpu.memref_squeeze %dma_wait3A_348 : memref<1x50xi32, #tpu.memory_space<vmem>> -> memref<50xi32, #tpu.memory_space<vmem>>
      %dma_wait3A_350 = arith.constant 0 : i32
      %dma_wait3A_351 = arith.constant 0 : i32
      %dma_wait3A_352 = tpu.memref_slice %arg3[%dma_wait3A_350, %dma_wait3A_351] : memref<1000000x64xf32, #tpu.memory_space<hbm>> -> memref<1000000x64xf32, #tpu.memory_space<hbm>>
      %dma_wait3A_353 = tpu.memref_slice %arg7[%dma_wait3A_342] : memref<8x!tpu.dma_semaphore, #tpu.memory_space<semaphore_mem>> -> memref<1x!tpu.dma_semaphore, #tpu.memory_space<semaphore_mem>>
      %dma_wait3A_354 = tpu.memref_squeeze %dma_wait3A_353 : memref<1x!tpu.dma_semaphore, #tpu.memory_space<semaphore_mem>> -> memref<!tpu.dma_semaphore, #tpu.memory_space<semaphore_mem>>
      tpu.wait_indirect_dma semaphore(%dma_wait3A_354 : memref<!tpu.dma_semaphore, #tpu.memory_space<semaphore_mem>>) src(%dma_wait3A_352 : memref<1000000x64xf32, #tpu.memory_space<hbm>>) dst(%dma_wait3A_346 : memref<50x64xf32, #tpu.memory_space<vmem>>)
      %add3A_355 = arith.addi %mul3A_2, %add3A_340 : i32
      %dma_start3A_356 = arith.constant 1 : i32
      %dma_start3A_357 = arith.constant 1 : i32
      %dma_start3A_358 = arith.constant 0 : i32
      %dma_start3A_359 = arith.constant 0 : i32
      %dma_start3A_360 = tpu.memref_slice %arg6[%dma_start3A_356, %dma_start3A_358, %dma_start3A_359] : memref<8x50x64xf32, #tpu.memory_space<vmem>> -> memref<1x50x64xf32, #tpu.memory_space<vmem>>
      %dma_start3A_361 = tpu.memref_squeeze %dma_start3A_360 : memref<1x50x64xf32, #tpu.memory_space<vmem>> -> memref<50x64xf32, #tpu.memory_space<vmem>>
      %dma_start3A_362 = arith.constant 0 : i32
      %dma_start3A_363 = arith.constant 0 : i32
      %dma_start3A_364 = tpu.memref_slice %arg4[%add3A_355, %dma_start3A_362, %dma_start3A_363] : memref<4096x50x64xf32, #tpu.memory_space<hbm>> -> memref<1x50x64xf32, #tpu.memory_space<hbm>>
      %dma_start3A_365 = tpu.memref_squeeze %dma_start3A_364 : memref<1x50x64xf32, #tpu.memory_space<hbm>> -> memref<50x64xf32, #tpu.memory_space<hbm>>
      %dma_start3A_366 = tpu.memref_slice %arg8[%dma_start3A_357] : memref<8x!tpu.dma_semaphore, #tpu.memory_space<semaphore_mem>> -> memref<1x!tpu.dma_semaphore, #tpu.memory_space<semaphore_mem>>
      %dma_start3A_367 = tpu.memref_squeeze %dma_start3A_366 : memref<1x!tpu.dma_semaphore, #tpu.memory_space<semaphore_mem>> -> memref<!tpu.dma_semaphore, #tpu.memory_space<semaphore_mem>>
      %dma_start3A_368 = arith.constant 0 : i32
      %dma_start3A_369 = arith.constant 0 : i32
      %dma_start3A_370 = tpu.memref_slice %arg4[%add3A_355, %dma_start3A_368, %dma_start3A_369] : memref<4096x50x64xf32, #tpu.memory_space<hbm>> -> memref<1x50x64xf32, #tpu.memory_space<hbm>>
      %dma_start3A_371 = tpu.memref_squeeze %dma_start3A_370 : memref<1x50x64xf32, #tpu.memory_space<hbm>> -> memref<50x64xf32, #tpu.memory_space<hbm>>
      %dma_start3A_372 = arith.constant 0 : i32
      %dma_start3A_373 = arith.constant 0 : i32
      %dma_start3A_374 = tpu.memref_slice %arg6[%dma_start3A_356, %dma_start3A_372, %dma_start3A_373] : memref<8x50x64xf32, #tpu.memory_space<vmem>> -> memref<1x50x64xf32, #tpu.memory_space<vmem>>
      %dma_start3A_375 = tpu.memref_squeeze %dma_start3A_374 : memref<1x50x64xf32, #tpu.memory_space<vmem>> -> memref<50x64xf32, #tpu.memory_space<vmem>>
      tpu.enqueue_dma source(%dma_start3A_375 : memref<50x64xf32, #tpu.memory_space<vmem>>) target(%dma_start3A_371 : memref<50x64xf32, #tpu.memory_space<hbm>>) target_semaphore(%dma_start3A_367 : memref<!tpu.dma_semaphore, #tpu.memory_space<semaphore_mem>>)
      %add3A_376 = arith.constant 8 : i32
      %add3A_377 = arith.addi %add3A_340, %add3A_376 : i32
      %lt3A_378 = arith.constant 128 : i32
      %lt3A_379 = arith.cmpi slt, %add3A_377, %lt3A_378 : i32
      %convert_element_type3A_380 = arith.extui %lt3A_379 : i1 to i32
      %cond3A_381 = arith.constant 0 : i32
      %cond3A_382 = arith.cmpi ne, %convert_element_type3A_380, %cond3A_381 : i32
      scf.if %cond3A_382 {
        %dma_wait3A_647 = arith.constant 1 : i32
        %dma_wait3A_648 = arith.constant 0 : i32
        %dma_wait3A_649 = arith.constant 1 : i32
        %dma_wait3A_650 = arith.constant 0 : i32
        %dma_wait3A_651 = arith.constant 0 : i32
        %dma_wait3A_652 = tpu.memref_slice %arg6[%dma_wait3A_647, %dma_wait3A_650, %dma_wait3A_651] : memref<8x50x64xf32, #tpu.memory_space<vmem>> -> memref<1x50x64xf32, #tpu.memory_space<vmem>>
        %dma_wait3A_653 = tpu.memref_squeeze %dma_wait3A_652 : memref<1x50x64xf32, #tpu.memory_space<vmem>> -> memref<50x64xf32, #tpu.memory_space<vmem>>
        %dma_wait3A_654 = arith.constant 0 : i32
        %dma_wait3A_655 = arith.constant 0 : i32
        %dma_wait3A_656 = tpu.memref_slice %arg4[%dma_wait3A_648, %dma_wait3A_654, %dma_wait3A_655] : memref<4096x50x64xf32, #tpu.memory_space<hbm>> -> memref<1x50x64xf32, #tpu.memory_space<hbm>>
        %dma_wait3A_657 = tpu.memref_squeeze %dma_wait3A_656 : memref<1x50x64xf32, #tpu.memory_space<hbm>> -> memref<50x64xf32, #tpu.memory_space<hbm>>
        %dma_wait3A_658 = tpu.memref_slice %arg8[%dma_wait3A_649] : memref<8x!tpu.dma_semaphore, #tpu.memory_space<semaphore_mem>> -> memref<1x!tpu.dma_semaphore, #tpu.memory_space<semaphore_mem>>
        %dma_wait3A_659 = tpu.memref_squeeze %dma_wait3A_658 : memref<1x!tpu.dma_semaphore, #tpu.memory_space<semaphore_mem>> -> memref<!tpu.dma_semaphore, #tpu.memory_space<semaphore_mem>>
        %dma_wait3A_660 = arith.constant 0 : i32
        %dma_wait3A_661 = arith.constant 0 : i32
        %dma_wait3A_662 = tpu.memref_slice %arg4[%dma_wait3A_648, %dma_wait3A_660, %dma_wait3A_661] : memref<4096x50x64xf32, #tpu.memory_space<hbm>> -> memref<1x50x64xf32, #tpu.memory_space<hbm>>
        %dma_wait3A_663 = tpu.memref_squeeze %dma_wait3A_662 : memref<1x50x64xf32, #tpu.memory_space<hbm>> -> memref<50x64xf32, #tpu.memory_space<hbm>>
        %dma_wait3A_664 = arith.constant 0 : i32
        %dma_wait3A_665 = arith.constant 0 : i32
        %dma_wait3A_666 = tpu.memref_slice %arg6[%dma_wait3A_647, %dma_wait3A_664, %dma_wait3A_665] : memref<8x50x64xf32, #tpu.memory_space<vmem>> -> memref<1x50x64xf32, #tpu.memory_space<vmem>>
        %dma_wait3A_667 = tpu.memref_squeeze %dma_wait3A_666 : memref<1x50x64xf32, #tpu.memory_space<vmem>> -> memref<50x64xf32, #tpu.memory_space<vmem>>
        tpu.wait_dma2 semaphore(%dma_wait3A_659 : memref<!tpu.dma_semaphore, #tpu.memory_space<semaphore_mem>>) src(%dma_wait3A_667 : memref<50x64xf32, #tpu.memory_space<vmem>>) dst(%dma_wait3A_663 : memref<50x64xf32, #tpu.memory_space<hbm>>)
        %add3A_668 = arith.constant 8 : i32
        %add3A_669 = arith.addi %add3A_340, %add3A_668 : i32
        %dma_start3A_670 = arith.constant 1 : i32
        %dma_start3A_671 = arith.constant 1 : i32
        %dma_start3A_672 = arith.constant 0 : i32
        %dma_start3A_673 = arith.constant 0 : i32
        %dma_start3A_674 = tpu.memref_slice %arg6[%dma_start3A_670, %dma_start3A_672, %dma_start3A_673] : memref<8x50x64xf32, #tpu.memory_space<vmem>> -> memref<1x50x64xf32, #tpu.memory_space<vmem>>
        %dma_start3A_675 = tpu.memref_squeeze %dma_start3A_674 : memref<1x50x64xf32, #tpu.memory_space<vmem>> -> memref<50x64xf32, #tpu.memory_space<vmem>>
        %dma_start3A_676 = arith.constant 0 : i32
        %dma_start3A_677 = tpu.memref_slice %arg5[%add3A_669, %dma_start3A_676] : memref<128x50xi32, #tpu.memory_space<vmem>> -> memref<1x50xi32, #tpu.memory_space<vmem>>
        %dma_start3A_678 = tpu.memref_squeeze %dma_start3A_677 : memref<1x50xi32, #tpu.memory_space<vmem>> -> memref<50xi32, #tpu.memory_space<vmem>>
        %dma_start3A_679 = arith.constant 0 : i32
        %dma_start3A_680 = arith.constant 0 : i32
        %dma_start3A_681 = tpu.memref_slice %arg3[%dma_start3A_679, %dma_start3A_680] : memref<1000000x64xf32, #tpu.memory_space<hbm>> -> memref<1000000x64xf32, #tpu.memory_space<hbm>>
        %dma_start3A_682 = tpu.memref_slice %arg7[%dma_start3A_671] : memref<8x!tpu.dma_semaphore, #tpu.memory_space<semaphore_mem>> -> memref<1x!tpu.dma_semaphore, #tpu.memory_space<semaphore_mem>>
        %dma_start3A_683 = tpu.memref_squeeze %dma_start3A_682 : memref<1x!tpu.dma_semaphore, #tpu.memory_space<semaphore_mem>> -> memref<!tpu.dma_semaphore, #tpu.memory_space<semaphore_mem>>
        tpu.enqueue_indirect_dma source(%dma_start3A_681 : memref<1000000x64xf32, #tpu.memory_space<hbm>>) target(%dma_start3A_675 : memref<50x64xf32, #tpu.memory_space<vmem>>) offsets(%dma_start3A_678 : memref<50xi32, #tpu.memory_space<vmem>>) semaphore(%dma_start3A_683 : memref<!tpu.dma_semaphore, #tpu.memory_space<semaphore_mem>>)
      } else {
      }
      %add3A_383 = arith.constant 2 : i32
      %add3A_384 = arith.addi %add3A_297, %add3A_383 : i32
      %dma_wait3A_385 = arith.constant 2 : i32
      %dma_wait3A_386 = arith.constant 2 : i32
      %dma_wait3A_387 = arith.constant 0 : i32
      %dma_wait3A_388 = arith.constant 0 : i32
      %dma_wait3A_389 = tpu.memref_slice %arg6[%dma_wait3A_385, %dma_wait3A_387, %dma_wait3A_388] : memref<8x50x64xf32, #tpu.memory_space<vmem>> -> memref<1x50x64xf32, #tpu.memory_space<vmem>>
      %dma_wait3A_390 = tpu.memref_squeeze %dma_wait3A_389 : memref<1x50x64xf32, #tpu.memory_space<vmem>> -> memref<50x64xf32, #tpu.memory_space<vmem>>
      %dma_wait3A_391 = arith.constant 0 : i32
      %dma_wait3A_392 = tpu.memref_slice %arg5[%add3A_384, %dma_wait3A_391] : memref<128x50xi32, #tpu.memory_space<vmem>> -> memref<1x50xi32, #tpu.memory_space<vmem>>
      %dma_wait3A_393 = tpu.memref_squeeze %dma_wait3A_392 : memref<1x50xi32, #tpu.memory_space<vmem>> -> memref<50xi32, #tpu.memory_space<vmem>>
      %dma_wait3A_394 = arith.constant 0 : i32
      %dma_wait3A_395 = arith.constant 0 : i32
      %dma_wait3A_396 = tpu.memref_slice %arg3[%dma_wait3A_394, %dma_wait3A_395] : memref<1000000x64xf32, #tpu.memory_space<hbm>> -> memref<1000000x64xf32, #tpu.memory_space<hbm>>
      %dma_wait3A_397 = tpu.memref_slice %arg7[%dma_wait3A_386] : memref<8x!tpu.dma_semaphore, #tpu.memory_space<semaphore_mem>> -> memref<1x!tpu.dma_semaphore, #tpu.memory_space<semaphore_mem>>
      %dma_wait3A_398 = tpu.memref_squeeze %dma_wait3A_397 : memref<1x!tpu.dma_semaphore, #tpu.memory_space<semaphore_mem>> -> memref<!tpu.dma_semaphore, #tpu.memory_space<semaphore_mem>>
      tpu.wait_indirect_dma semaphore(%dma_wait3A_398 : memref<!tpu.dma_semaphore, #tpu.memory_space<semaphore_mem>>) src(%dma_wait3A_396 : memref<1000000x64xf32, #tpu.memory_space<hbm>>) dst(%dma_wait3A_390 : memref<50x64xf32, #tpu.memory_space<vmem>>)
      %add3A_399 = arith.addi %mul3A_2, %add3A_384 : i32
      %dma_start3A_400 = arith.constant 2 : i32
      %dma_start3A_401 = arith.constant 2 : i32
      %dma_start3A_402 = arith.constant 0 : i32
      %dma_start3A_403 = arith.constant 0 : i32
      %dma_start3A_404 = tpu.memref_slice %arg6[%dma_start3A_400, %dma_start3A_402, %dma_start3A_403] : memref<8x50x64xf32, #tpu.memory_space<vmem>> -> memref<1x50x64xf32, #tpu.memory_space<vmem>>
      %dma_start3A_405 = tpu.memref_squeeze %dma_start3A_404 : memref<1x50x64xf32, #tpu.memory_space<vmem>> -> memref<50x64xf32, #tpu.memory_space<vmem>>
      %dma_start3A_406 = arith.constant 0 : i32
      %dma_start3A_407 = arith.constant 0 : i32
      %dma_start3A_408 = tpu.memref_slice %arg4[%add3A_399, %dma_start3A_406, %dma_start3A_407] : memref<4096x50x64xf32, #tpu.memory_space<hbm>> -> memref<1x50x64xf32, #tpu.memory_space<hbm>>
      %dma_start3A_409 = tpu.memref_squeeze %dma_start3A_408 : memref<1x50x64xf32, #tpu.memory_space<hbm>> -> memref<50x64xf32, #tpu.memory_space<hbm>>
      %dma_start3A_410 = tpu.memref_slice %arg8[%dma_start3A_401] : memref<8x!tpu.dma_semaphore, #tpu.memory_space<semaphore_mem>> -> memref<1x!tpu.dma_semaphore, #tpu.memory_space<semaphore_mem>>
      %dma_start3A_411 = tpu.memref_squeeze %dma_start3A_410 : memref<1x!tpu.dma_semaphore, #tpu.memory_space<semaphore_mem>> -> memref<!tpu.dma_semaphore, #tpu.memory_space<semaphore_mem>>
      %dma_start3A_412 = arith.constant 0 : i32
      %dma_start3A_413 = arith.constant 0 : i32
      %dma_start3A_414 = tpu.memref_slice %arg4[%add3A_399, %dma_start3A_412, %dma_start3A_413] : memref<4096x50x64xf32, #tpu.memory_space<hbm>> -> memref<1x50x64xf32, #tpu.memory_space<hbm>>
      %dma_start3A_415 = tpu.memref_squeeze %dma_start3A_414 : memref<1x50x64xf32, #tpu.memory_space<hbm>> -> memref<50x64xf32, #tpu.memory_space<hbm>>
      %dma_start3A_416 = arith.constant 0 : i32
      %dma_start3A_417 = arith.constant 0 : i32
      %dma_start3A_418 = tpu.memref_slice %arg6[%dma_start3A_400, %dma_start3A_416, %dma_start3A_417] : memref<8x50x64xf32, #tpu.memory_space<vmem>> -> memref<1x50x64xf32, #tpu.memory_space<vmem>>
      %dma_start3A_419 = tpu.memref_squeeze %dma_start3A_418 : memref<1x50x64xf32, #tpu.memory_space<vmem>> -> memref<50x64xf32, #tpu.memory_space<vmem>>
      tpu.enqueue_dma source(%dma_start3A_419 : memref<50x64xf32, #tpu.memory_space<vmem>>) target(%dma_start3A_415 : memref<50x64xf32, #tpu.memory_space<hbm>>) target_semaphore(%dma_start3A_411 : memref<!tpu.dma_semaphore, #tpu.memory_space<semaphore_mem>>)
      %add3A_420 = arith.constant 8 : i32
      %add3A_421 = arith.addi %add3A_384, %add3A_420 : i32
      %lt3A_422 = arith.constant 128 : i32
      %lt3A_423 = arith.cmpi slt, %add3A_421, %lt3A_422 : i32
      %convert_element_type3A_424 = arith.extui %lt3A_423 : i1 to i32
      %cond3A_425 = arith.constant 0 : i32
      %cond3A_426 = arith.cmpi ne, %convert_element_type3A_424, %cond3A_425 : i32
      scf.if %cond3A_426 {
        %dma_wait3A_647 = arith.constant 2 : i32
        %dma_wait3A_648 = arith.constant 0 : i32
        %dma_wait3A_649 = arith.constant 2 : i32
        %dma_wait3A_650 = arith.constant 0 : i32
        %dma_wait3A_651 = arith.constant 0 : i32
        %dma_wait3A_652 = tpu.memref_slice %arg6[%dma_wait3A_647, %dma_wait3A_650, %dma_wait3A_651] : memref<8x50x64xf32, #tpu.memory_space<vmem>> -> memref<1x50x64xf32, #tpu.memory_space<vmem>>
        %dma_wait3A_653 = tpu.memref_squeeze %dma_wait3A_652 : memref<1x50x64xf32, #tpu.memory_space<vmem>> -> memref<50x64xf32, #tpu.memory_space<vmem>>
        %dma_wait3A_654 = arith.constant 0 : i32
        %dma_wait3A_655 = arith.constant 0 : i32
        %dma_wait3A_656 = tpu.memref_slice %arg4[%dma_wait3A_648, %dma_wait3A_654, %dma_wait3A_655] : memref<4096x50x64xf32, #tpu.memory_space<hbm>> -> memref<1x50x64xf32, #tpu.memory_space<hbm>>
        %dma_wait3A_657 = tpu.memref_squeeze %dma_wait3A_656 : memref<1x50x64xf32, #tpu.memory_space<hbm>> -> memref<50x64xf32, #tpu.memory_space<hbm>>
        %dma_wait3A_658 = tpu.memref_slice %arg8[%dma_wait3A_649] : memref<8x!tpu.dma_semaphore, #tpu.memory_space<semaphore_mem>> -> memref<1x!tpu.dma_semaphore, #tpu.memory_space<semaphore_mem>>
        %dma_wait3A_659 = tpu.memref_squeeze %dma_wait3A_658 : memref<1x!tpu.dma_semaphore, #tpu.memory_space<semaphore_mem>> -> memref<!tpu.dma_semaphore, #tpu.memory_space<semaphore_mem>>
        %dma_wait3A_660 = arith.constant 0 : i32
        %dma_wait3A_661 = arith.constant 0 : i32
        %dma_wait3A_662 = tpu.memref_slice %arg4[%dma_wait3A_648, %dma_wait3A_660, %dma_wait3A_661] : memref<4096x50x64xf32, #tpu.memory_space<hbm>> -> memref<1x50x64xf32, #tpu.memory_space<hbm>>
        %dma_wait3A_663 = tpu.memref_squeeze %dma_wait3A_662 : memref<1x50x64xf32, #tpu.memory_space<hbm>> -> memref<50x64xf32, #tpu.memory_space<hbm>>
        %dma_wait3A_664 = arith.constant 0 : i32
        %dma_wait3A_665 = arith.constant 0 : i32
        %dma_wait3A_666 = tpu.memref_slice %arg6[%dma_wait3A_647, %dma_wait3A_664, %dma_wait3A_665] : memref<8x50x64xf32, #tpu.memory_space<vmem>> -> memref<1x50x64xf32, #tpu.memory_space<vmem>>
        %dma_wait3A_667 = tpu.memref_squeeze %dma_wait3A_666 : memref<1x50x64xf32, #tpu.memory_space<vmem>> -> memref<50x64xf32, #tpu.memory_space<vmem>>
        tpu.wait_dma2 semaphore(%dma_wait3A_659 : memref<!tpu.dma_semaphore, #tpu.memory_space<semaphore_mem>>) src(%dma_wait3A_667 : memref<50x64xf32, #tpu.memory_space<vmem>>) dst(%dma_wait3A_663 : memref<50x64xf32, #tpu.memory_space<hbm>>)
        %add3A_668 = arith.constant 8 : i32
        %add3A_669 = arith.addi %add3A_384, %add3A_668 : i32
        %dma_start3A_670 = arith.constant 2 : i32
        %dma_start3A_671 = arith.constant 2 : i32
        %dma_start3A_672 = arith.constant 0 : i32
        %dma_start3A_673 = arith.constant 0 : i32
        %dma_start3A_674 = tpu.memref_slice %arg6[%dma_start3A_670, %dma_start3A_672, %dma_start3A_673] : memref<8x50x64xf32, #tpu.memory_space<vmem>> -> memref<1x50x64xf32, #tpu.memory_space<vmem>>
        %dma_start3A_675 = tpu.memref_squeeze %dma_start3A_674 : memref<1x50x64xf32, #tpu.memory_space<vmem>> -> memref<50x64xf32, #tpu.memory_space<vmem>>
        %dma_start3A_676 = arith.constant 0 : i32
        %dma_start3A_677 = tpu.memref_slice %arg5[%add3A_669, %dma_start3A_676] : memref<128x50xi32, #tpu.memory_space<vmem>> -> memref<1x50xi32, #tpu.memory_space<vmem>>
        %dma_start3A_678 = tpu.memref_squeeze %dma_start3A_677 : memref<1x50xi32, #tpu.memory_space<vmem>> -> memref<50xi32, #tpu.memory_space<vmem>>
        %dma_start3A_679 = arith.constant 0 : i32
        %dma_start3A_680 = arith.constant 0 : i32
        %dma_start3A_681 = tpu.memref_slice %arg3[%dma_start3A_679, %dma_start3A_680] : memref<1000000x64xf32, #tpu.memory_space<hbm>> -> memref<1000000x64xf32, #tpu.memory_space<hbm>>
        %dma_start3A_682 = tpu.memref_slice %arg7[%dma_start3A_671] : memref<8x!tpu.dma_semaphore, #tpu.memory_space<semaphore_mem>> -> memref<1x!tpu.dma_semaphore, #tpu.memory_space<semaphore_mem>>
        %dma_start3A_683 = tpu.memref_squeeze %dma_start3A_682 : memref<1x!tpu.dma_semaphore, #tpu.memory_space<semaphore_mem>> -> memref<!tpu.dma_semaphore, #tpu.memory_space<semaphore_mem>>
        tpu.enqueue_indirect_dma source(%dma_start3A_681 : memref<1000000x64xf32, #tpu.memory_space<hbm>>) target(%dma_start3A_675 : memref<50x64xf32, #tpu.memory_space<vmem>>) offsets(%dma_start3A_678 : memref<50xi32, #tpu.memory_space<vmem>>) semaphore(%dma_start3A_683 : memref<!tpu.dma_semaphore, #tpu.memory_space<semaphore_mem>>)
      } else {
      }
      %add3A_427 = arith.constant 3 : i32
      %add3A_428 = arith.addi %add3A_297, %add3A_427 : i32
      %dma_wait3A_429 = arith.constant 3 : i32
      %dma_wait3A_430 = arith.constant 3 : i32
      %dma_wait3A_431 = arith.constant 0 : i32
      %dma_wait3A_432 = arith.constant 0 : i32
      %dma_wait3A_433 = tpu.memref_slice %arg6[%dma_wait3A_429, %dma_wait3A_431, %dma_wait3A_432] : memref<8x50x64xf32, #tpu.memory_space<vmem>> -> memref<1x50x64xf32, #tpu.memory_space<vmem>>
      %dma_wait3A_434 = tpu.memref_squeeze %dma_wait3A_433 : memref<1x50x64xf32, #tpu.memory_space<vmem>> -> memref<50x64xf32, #tpu.memory_space<vmem>>
      %dma_wait3A_435 = arith.constant 0 : i32
      %dma_wait3A_436 = tpu.memref_slice %arg5[%add3A_428, %dma_wait3A_435] : memref<128x50xi32, #tpu.memory_space<vmem>> -> memref<1x50xi32, #tpu.memory_space<vmem>>
      %dma_wait3A_437 = tpu.memref_squeeze %dma_wait3A_436 : memref<1x50xi32, #tpu.memory_space<vmem>> -> memref<50xi32, #tpu.memory_space<vmem>>
      %dma_wait3A_438 = arith.constant 0 : i32
      %dma_wait3A_439 = arith.constant 0 : i32
      %dma_wait3A_440 = tpu.memref_slice %arg3[%dma_wait3A_438, %dma_wait3A_439] : memref<1000000x64xf32, #tpu.memory_space<hbm>> -> memref<1000000x64xf32, #tpu.memory_space<hbm>>
      %dma_wait3A_441 = tpu.memref_slice %arg7[%dma_wait3A_430] : memref<8x!tpu.dma_semaphore, #tpu.memory_space<semaphore_mem>> -> memref<1x!tpu.dma_semaphore, #tpu.memory_space<semaphore_mem>>
      %dma_wait3A_442 = tpu.memref_squeeze %dma_wait3A_441 : memref<1x!tpu.dma_semaphore, #tpu.memory_space<semaphore_mem>> -> memref<!tpu.dma_semaphore, #tpu.memory_space<semaphore_mem>>
      tpu.wait_indirect_dma semaphore(%dma_wait3A_442 : memref<!tpu.dma_semaphore, #tpu.memory_space<semaphore_mem>>) src(%dma_wait3A_440 : memref<1000000x64xf32, #tpu.memory_space<hbm>>) dst(%dma_wait3A_434 : memref<50x64xf32, #tpu.memory_space<vmem>>)
      %add3A_443 = arith.addi %mul3A_2, %add3A_428 : i32
      %dma_start3A_444 = arith.constant 3 : i32
      %dma_start3A_445 = arith.constant 3 : i32
      %dma_start3A_446 = arith.constant 0 : i32
      %dma_start3A_447 = arith.constant 0 : i32
      %dma_start3A_448 = tpu.memref_slice %arg6[%dma_start3A_444, %dma_start3A_446, %dma_start3A_447] : memref<8x50x64xf32, #tpu.memory_space<vmem>> -> memref<1x50x64xf32, #tpu.memory_space<vmem>>
      %dma_start3A_449 = tpu.memref_squeeze %dma_start3A_448 : memref<1x50x64xf32, #tpu.memory_space<vmem>> -> memref<50x64xf32, #tpu.memory_space<vmem>>
      %dma_start3A_450 = arith.constant 0 : i32
      %dma_start3A_451 = arith.constant 0 : i32
      %dma_start3A_452 = tpu.memref_slice %arg4[%add3A_443, %dma_start3A_450, %dma_start3A_451] : memref<4096x50x64xf32, #tpu.memory_space<hbm>> -> memref<1x50x64xf32, #tpu.memory_space<hbm>>
      %dma_start3A_453 = tpu.memref_squeeze %dma_start3A_452 : memref<1x50x64xf32, #tpu.memory_space<hbm>> -> memref<50x64xf32, #tpu.memory_space<hbm>>
      %dma_start3A_454 = tpu.memref_slice %arg8[%dma_start3A_445] : memref<8x!tpu.dma_semaphore, #tpu.memory_space<semaphore_mem>> -> memref<1x!tpu.dma_semaphore, #tpu.memory_space<semaphore_mem>>
      %dma_start3A_455 = tpu.memref_squeeze %dma_start3A_454 : memref<1x!tpu.dma_semaphore, #tpu.memory_space<semaphore_mem>> -> memref<!tpu.dma_semaphore, #tpu.memory_space<semaphore_mem>>
      %dma_start3A_456 = arith.constant 0 : i32
      %dma_start3A_457 = arith.constant 0 : i32
      %dma_start3A_458 = tpu.memref_slice %arg4[%add3A_443, %dma_start3A_456, %dma_start3A_457] : memref<4096x50x64xf32, #tpu.memory_space<hbm>> -> memref<1x50x64xf32, #tpu.memory_space<hbm>>
      %dma_start3A_459 = tpu.memref_squeeze %dma_start3A_458 : memref<1x50x64xf32, #tpu.memory_space<hbm>> -> memref<50x64xf32, #tpu.memory_space<hbm>>
      %dma_start3A_460 = arith.constant 0 : i32
      %dma_start3A_461 = arith.constant 0 : i32
      %dma_start3A_462 = tpu.memref_slice %arg6[%dma_start3A_444, %dma_start3A_460, %dma_start3A_461] : memref<8x50x64xf32, #tpu.memory_space<vmem>> -> memref<1x50x64xf32, #tpu.memory_space<vmem>>
      %dma_start3A_463 = tpu.memref_squeeze %dma_start3A_462 : memref<1x50x64xf32, #tpu.memory_space<vmem>> -> memref<50x64xf32, #tpu.memory_space<vmem>>
      tpu.enqueue_dma source(%dma_start3A_463 : memref<50x64xf32, #tpu.memory_space<vmem>>) target(%dma_start3A_459 : memref<50x64xf32, #tpu.memory_space<hbm>>) target_semaphore(%dma_start3A_455 : memref<!tpu.dma_semaphore, #tpu.memory_space<semaphore_mem>>)
      %add3A_464 = arith.constant 8 : i32
      %add3A_465 = arith.addi %add3A_428, %add3A_464 : i32
      %lt3A_466 = arith.constant 128 : i32
      %lt3A_467 = arith.cmpi slt, %add3A_465, %lt3A_466 : i32
      %convert_element_type3A_468 = arith.extui %lt3A_467 : i1 to i32
      %cond3A_469 = arith.constant 0 : i32
      %cond3A_470 = arith.cmpi ne, %convert_element_type3A_468, %cond3A_469 : i32
      scf.if %cond3A_470 {
        %dma_wait3A_647 = arith.constant 3 : i32
        %dma_wait3A_648 = arith.constant 0 : i32
        %dma_wait3A_649 = arith.constant 3 : i32
        %dma_wait3A_650 = arith.constant 0 : i32
        %dma_wait3A_651 = arith.constant 0 : i32
        %dma_wait3A_652 = tpu.memref_slice %arg6[%dma_wait3A_647, %dma_wait3A_650, %dma_wait3A_651] : memref<8x50x64xf32, #tpu.memory_space<vmem>> -> memref<1x50x64xf32, #tpu.memory_space<vmem>>
        %dma_wait3A_653 = tpu.memref_squeeze %dma_wait3A_652 : memref<1x50x64xf32, #tpu.memory_space<vmem>> -> memref<50x64xf32, #tpu.memory_space<vmem>>
        %dma_wait3A_654 = arith.constant 0 : i32
        %dma_wait3A_655 = arith.constant 0 : i32
        %dma_wait3A_656 = tpu.memref_slice %arg4[%dma_wait3A_648, %dma_wait3A_654, %dma_wait3A_655] : memref<4096x50x64xf32, #tpu.memory_space<hbm>> -> memref<1x50x64xf32, #tpu.memory_space<hbm>>
        %dma_wait3A_657 = tpu.memref_squeeze %dma_wait3A_656 : memref<1x50x64xf32, #tpu.memory_space<hbm>> -> memref<50x64xf32, #tpu.memory_space<hbm>>
        %dma_wait3A_658 = tpu.memref_slice %arg8[%dma_wait3A_649] : memref<8x!tpu.dma_semaphore, #tpu.memory_space<semaphore_mem>> -> memref<1x!tpu.dma_semaphore, #tpu.memory_space<semaphore_mem>>
        %dma_wait3A_659 = tpu.memref_squeeze %dma_wait3A_658 : memref<1x!tpu.dma_semaphore, #tpu.memory_space<semaphore_mem>> -> memref<!tpu.dma_semaphore, #tpu.memory_space<semaphore_mem>>
        %dma_wait3A_660 = arith.constant 0 : i32
        %dma_wait3A_661 = arith.constant 0 : i32
        %dma_wait3A_662 = tpu.memref_slice %arg4[%dma_wait3A_648, %dma_wait3A_660, %dma_wait3A_661] : memref<4096x50x64xf32, #tpu.memory_space<hbm>> -> memref<1x50x64xf32, #tpu.memory_space<hbm>>
        %dma_wait3A_663 = tpu.memref_squeeze %dma_wait3A_662 : memref<1x50x64xf32, #tpu.memory_space<hbm>> -> memref<50x64xf32, #tpu.memory_space<hbm>>
        %dma_wait3A_664 = arith.constant 0 : i32
        %dma_wait3A_665 = arith.constant 0 : i32
        %dma_wait3A_666 = tpu.memref_slice %arg6[%dma_wait3A_647, %dma_wait3A_664, %dma_wait3A_665] : memref<8x50x64xf32, #tpu.memory_space<vmem>> -> memref<1x50x64xf32, #tpu.memory_space<vmem>>
        %dma_wait3A_667 = tpu.memref_squeeze %dma_wait3A_666 : memref<1x50x64xf32, #tpu.memory_space<vmem>> -> memref<50x64xf32, #tpu.memory_space<vmem>>
        tpu.wait_dma2 semaphore(%dma_wait3A_659 : memref<!tpu.dma_semaphore, #tpu.memory_space<semaphore_mem>>) src(%dma_wait3A_667 : memref<50x64xf32, #tpu.memory_space<vmem>>) dst(%dma_wait3A_663 : memref<50x64xf32, #tpu.memory_space<hbm>>)
        %add3A_668 = arith.constant 8 : i32
        %add3A_669 = arith.addi %add3A_428, %add3A_668 : i32
        %dma_start3A_670 = arith.constant 3 : i32
        %dma_start3A_671 = arith.constant 3 : i32
        %dma_start3A_672 = arith.constant 0 : i32
        %dma_start3A_673 = arith.constant 0 : i32
        %dma_start3A_674 = tpu.memref_slice %arg6[%dma_start3A_670, %dma_start3A_672, %dma_start3A_673] : memref<8x50x64xf32, #tpu.memory_space<vmem>> -> memref<1x50x64xf32, #tpu.memory_space<vmem>>
        %dma_start3A_675 = tpu.memref_squeeze %dma_start3A_674 : memref<1x50x64xf32, #tpu.memory_space<vmem>> -> memref<50x64xf32, #tpu.memory_space<vmem>>
        %dma_start3A_676 = arith.constant 0 : i32
        %dma_start3A_677 = tpu.memref_slice %arg5[%add3A_669, %dma_start3A_676] : memref<128x50xi32, #tpu.memory_space<vmem>> -> memref<1x50xi32, #tpu.memory_space<vmem>>
        %dma_start3A_678 = tpu.memref_squeeze %dma_start3A_677 : memref<1x50xi32, #tpu.memory_space<vmem>> -> memref<50xi32, #tpu.memory_space<vmem>>
        %dma_start3A_679 = arith.constant 0 : i32
        %dma_start3A_680 = arith.constant 0 : i32
        %dma_start3A_681 = tpu.memref_slice %arg3[%dma_start3A_679, %dma_start3A_680] : memref<1000000x64xf32, #tpu.memory_space<hbm>> -> memref<1000000x64xf32, #tpu.memory_space<hbm>>
        %dma_start3A_682 = tpu.memref_slice %arg7[%dma_start3A_671] : memref<8x!tpu.dma_semaphore, #tpu.memory_space<semaphore_mem>> -> memref<1x!tpu.dma_semaphore, #tpu.memory_space<semaphore_mem>>
        %dma_start3A_683 = tpu.memref_squeeze %dma_start3A_682 : memref<1x!tpu.dma_semaphore, #tpu.memory_space<semaphore_mem>> -> memref<!tpu.dma_semaphore, #tpu.memory_space<semaphore_mem>>
        tpu.enqueue_indirect_dma source(%dma_start3A_681 : memref<1000000x64xf32, #tpu.memory_space<hbm>>) target(%dma_start3A_675 : memref<50x64xf32, #tpu.memory_space<vmem>>) offsets(%dma_start3A_678 : memref<50xi32, #tpu.memory_space<vmem>>) semaphore(%dma_start3A_683 : memref<!tpu.dma_semaphore, #tpu.memory_space<semaphore_mem>>)
      } else {
      }
      %add3A_471 = arith.constant 4 : i32
      %add3A_472 = arith.addi %add3A_297, %add3A_471 : i32
      %dma_wait3A_473 = arith.constant 4 : i32
      %dma_wait3A_474 = arith.constant 4 : i32
      %dma_wait3A_475 = arith.constant 0 : i32
      %dma_wait3A_476 = arith.constant 0 : i32
      %dma_wait3A_477 = tpu.memref_slice %arg6[%dma_wait3A_473, %dma_wait3A_475, %dma_wait3A_476] : memref<8x50x64xf32, #tpu.memory_space<vmem>> -> memref<1x50x64xf32, #tpu.memory_space<vmem>>
      %dma_wait3A_478 = tpu.memref_squeeze %dma_wait3A_477 : memref<1x50x64xf32, #tpu.memory_space<vmem>> -> memref<50x64xf32, #tpu.memory_space<vmem>>
      %dma_wait3A_479 = arith.constant 0 : i32
      %dma_wait3A_480 = tpu.memref_slice %arg5[%add3A_472, %dma_wait3A_479] : memref<128x50xi32, #tpu.memory_space<vmem>> -> memref<1x50xi32, #tpu.memory_space<vmem>>
      %dma_wait3A_481 = tpu.memref_squeeze %dma_wait3A_480 : memref<1x50xi32, #tpu.memory_space<vmem>> -> memref<50xi32, #tpu.memory_space<vmem>>
      %dma_wait3A_482 = arith.constant 0 : i32
      %dma_wait3A_483 = arith.constant 0 : i32
      %dma_wait3A_484 = tpu.memref_slice %arg3[%dma_wait3A_482, %dma_wait3A_483] : memref<1000000x64xf32, #tpu.memory_space<hbm>> -> memref<1000000x64xf32, #tpu.memory_space<hbm>>
      %dma_wait3A_485 = tpu.memref_slice %arg7[%dma_wait3A_474] : memref<8x!tpu.dma_semaphore, #tpu.memory_space<semaphore_mem>> -> memref<1x!tpu.dma_semaphore, #tpu.memory_space<semaphore_mem>>
      %dma_wait3A_486 = tpu.memref_squeeze %dma_wait3A_485 : memref<1x!tpu.dma_semaphore, #tpu.memory_space<semaphore_mem>> -> memref<!tpu.dma_semaphore, #tpu.memory_space<semaphore_mem>>
      tpu.wait_indirect_dma semaphore(%dma_wait3A_486 : memref<!tpu.dma_semaphore, #tpu.memory_space<semaphore_mem>>) src(%dma_wait3A_484 : memref<1000000x64xf32, #tpu.memory_space<hbm>>) dst(%dma_wait3A_478 : memref<50x64xf32, #tpu.memory_space<vmem>>)
      %add3A_487 = arith.addi %mul3A_2, %add3A_472 : i32
      %dma_start3A_488 = arith.constant 4 : i32
      %dma_start3A_489 = arith.constant 4 : i32
      %dma_start3A_490 = arith.constant 0 : i32
      %dma_start3A_491 = arith.constant 0 : i32
      %dma_start3A_492 = tpu.memref_slice %arg6[%dma_start3A_488, %dma_start3A_490, %dma_start3A_491] : memref<8x50x64xf32, #tpu.memory_space<vmem>> -> memref<1x50x64xf32, #tpu.memory_space<vmem>>
      %dma_start3A_493 = tpu.memref_squeeze %dma_start3A_492 : memref<1x50x64xf32, #tpu.memory_space<vmem>> -> memref<50x64xf32, #tpu.memory_space<vmem>>
      %dma_start3A_494 = arith.constant 0 : i32
      %dma_start3A_495 = arith.constant 0 : i32
      %dma_start3A_496 = tpu.memref_slice %arg4[%add3A_487, %dma_start3A_494, %dma_start3A_495] : memref<4096x50x64xf32, #tpu.memory_space<hbm>> -> memref<1x50x64xf32, #tpu.memory_space<hbm>>
      %dma_start3A_497 = tpu.memref_squeeze %dma_start3A_496 : memref<1x50x64xf32, #tpu.memory_space<hbm>> -> memref<50x64xf32, #tpu.memory_space<hbm>>
      %dma_start3A_498 = tpu.memref_slice %arg8[%dma_start3A_489] : memref<8x!tpu.dma_semaphore, #tpu.memory_space<semaphore_mem>> -> memref<1x!tpu.dma_semaphore, #tpu.memory_space<semaphore_mem>>
      %dma_start3A_499 = tpu.memref_squeeze %dma_start3A_498 : memref<1x!tpu.dma_semaphore, #tpu.memory_space<semaphore_mem>> -> memref<!tpu.dma_semaphore, #tpu.memory_space<semaphore_mem>>
      %dma_start3A_500 = arith.constant 0 : i32
      %dma_start3A_501 = arith.constant 0 : i32
      %dma_start3A_502 = tpu.memref_slice %arg4[%add3A_487, %dma_start3A_500, %dma_start3A_501] : memref<4096x50x64xf32, #tpu.memory_space<hbm>> -> memref<1x50x64xf32, #tpu.memory_space<hbm>>
      %dma_start3A_503 = tpu.memref_squeeze %dma_start3A_502 : memref<1x50x64xf32, #tpu.memory_space<hbm>> -> memref<50x64xf32, #tpu.memory_space<hbm>>
      %dma_start3A_504 = arith.constant 0 : i32
      %dma_start3A_505 = arith.constant 0 : i32
      %dma_start3A_506 = tpu.memref_slice %arg6[%dma_start3A_488, %dma_start3A_504, %dma_start3A_505] : memref<8x50x64xf32, #tpu.memory_space<vmem>> -> memref<1x50x64xf32, #tpu.memory_space<vmem>>
      %dma_start3A_507 = tpu.memref_squeeze %dma_start3A_506 : memref<1x50x64xf32, #tpu.memory_space<vmem>> -> memref<50x64xf32, #tpu.memory_space<vmem>>
      tpu.enqueue_dma source(%dma_start3A_507 : memref<50x64xf32, #tpu.memory_space<vmem>>) target(%dma_start3A_503 : memref<50x64xf32, #tpu.memory_space<hbm>>) target_semaphore(%dma_start3A_499 : memref<!tpu.dma_semaphore, #tpu.memory_space<semaphore_mem>>)
      %add3A_508 = arith.constant 8 : i32
      %add3A_509 = arith.addi %add3A_472, %add3A_508 : i32
      %lt3A_510 = arith.constant 128 : i32
      %lt3A_511 = arith.cmpi slt, %add3A_509, %lt3A_510 : i32
      %convert_element_type3A_512 = arith.extui %lt3A_511 : i1 to i32
      %cond3A_513 = arith.constant 0 : i32
      %cond3A_514 = arith.cmpi ne, %convert_element_type3A_512, %cond3A_513 : i32
      scf.if %cond3A_514 {
        %dma_wait3A_647 = arith.constant 4 : i32
        %dma_wait3A_648 = arith.constant 0 : i32
        %dma_wait3A_649 = arith.constant 4 : i32
        %dma_wait3A_650 = arith.constant 0 : i32
        %dma_wait3A_651 = arith.constant 0 : i32
        %dma_wait3A_652 = tpu.memref_slice %arg6[%dma_wait3A_647, %dma_wait3A_650, %dma_wait3A_651] : memref<8x50x64xf32, #tpu.memory_space<vmem>> -> memref<1x50x64xf32, #tpu.memory_space<vmem>>
        %dma_wait3A_653 = tpu.memref_squeeze %dma_wait3A_652 : memref<1x50x64xf32, #tpu.memory_space<vmem>> -> memref<50x64xf32, #tpu.memory_space<vmem>>
        %dma_wait3A_654 = arith.constant 0 : i32
        %dma_wait3A_655 = arith.constant 0 : i32
        %dma_wait3A_656 = tpu.memref_slice %arg4[%dma_wait3A_648, %dma_wait3A_654, %dma_wait3A_655] : memref<4096x50x64xf32, #tpu.memory_space<hbm>> -> memref<1x50x64xf32, #tpu.memory_space<hbm>>
        %dma_wait3A_657 = tpu.memref_squeeze %dma_wait3A_656 : memref<1x50x64xf32, #tpu.memory_space<hbm>> -> memref<50x64xf32, #tpu.memory_space<hbm>>
        %dma_wait3A_658 = tpu.memref_slice %arg8[%dma_wait3A_649] : memref<8x!tpu.dma_semaphore, #tpu.memory_space<semaphore_mem>> -> memref<1x!tpu.dma_semaphore, #tpu.memory_space<semaphore_mem>>
        %dma_wait3A_659 = tpu.memref_squeeze %dma_wait3A_658 : memref<1x!tpu.dma_semaphore, #tpu.memory_space<semaphore_mem>> -> memref<!tpu.dma_semaphore, #tpu.memory_space<semaphore_mem>>
        %dma_wait3A_660 = arith.constant 0 : i32
        %dma_wait3A_661 = arith.constant 0 : i32
        %dma_wait3A_662 = tpu.memref_slice %arg4[%dma_wait3A_648, %dma_wait3A_660, %dma_wait3A_661] : memref<4096x50x64xf32, #tpu.memory_space<hbm>> -> memref<1x50x64xf32, #tpu.memory_space<hbm>>
        %dma_wait3A_663 = tpu.memref_squeeze %dma_wait3A_662 : memref<1x50x64xf32, #tpu.memory_space<hbm>> -> memref<50x64xf32, #tpu.memory_space<hbm>>
        %dma_wait3A_664 = arith.constant 0 : i32
        %dma_wait3A_665 = arith.constant 0 : i32
        %dma_wait3A_666 = tpu.memref_slice %arg6[%dma_wait3A_647, %dma_wait3A_664, %dma_wait3A_665] : memref<8x50x64xf32, #tpu.memory_space<vmem>> -> memref<1x50x64xf32, #tpu.memory_space<vmem>>
        %dma_wait3A_667 = tpu.memref_squeeze %dma_wait3A_666 : memref<1x50x64xf32, #tpu.memory_space<vmem>> -> memref<50x64xf32, #tpu.memory_space<vmem>>
        tpu.wait_dma2 semaphore(%dma_wait3A_659 : memref<!tpu.dma_semaphore, #tpu.memory_space<semaphore_mem>>) src(%dma_wait3A_667 : memref<50x64xf32, #tpu.memory_space<vmem>>) dst(%dma_wait3A_663 : memref<50x64xf32, #tpu.memory_space<hbm>>)
        %add3A_668 = arith.constant 8 : i32
        %add3A_669 = arith.addi %add3A_472, %add3A_668 : i32
        %dma_start3A_670 = arith.constant 4 : i32
        %dma_start3A_671 = arith.constant 4 : i32
        %dma_start3A_672 = arith.constant 0 : i32
        %dma_start3A_673 = arith.constant 0 : i32
        %dma_start3A_674 = tpu.memref_slice %arg6[%dma_start3A_670, %dma_start3A_672, %dma_start3A_673] : memref<8x50x64xf32, #tpu.memory_space<vmem>> -> memref<1x50x64xf32, #tpu.memory_space<vmem>>
        %dma_start3A_675 = tpu.memref_squeeze %dma_start3A_674 : memref<1x50x64xf32, #tpu.memory_space<vmem>> -> memref<50x64xf32, #tpu.memory_space<vmem>>
        %dma_start3A_676 = arith.constant 0 : i32
        %dma_start3A_677 = tpu.memref_slice %arg5[%add3A_669, %dma_start3A_676] : memref<128x50xi32, #tpu.memory_space<vmem>> -> memref<1x50xi32, #tpu.memory_space<vmem>>
        %dma_start3A_678 = tpu.memref_squeeze %dma_start3A_677 : memref<1x50xi32, #tpu.memory_space<vmem>> -> memref<50xi32, #tpu.memory_space<vmem>>
        %dma_start3A_679 = arith.constant 0 : i32
        %dma_start3A_680 = arith.constant 0 : i32
        %dma_start3A_681 = tpu.memref_slice %arg3[%dma_start3A_679, %dma_start3A_680] : memref<1000000x64xf32, #tpu.memory_space<hbm>> -> memref<1000000x64xf32, #tpu.memory_space<hbm>>
        %dma_start3A_682 = tpu.memref_slice %arg7[%dma_start3A_671] : memref<8x!tpu.dma_semaphore, #tpu.memory_space<semaphore_mem>> -> memref<1x!tpu.dma_semaphore, #tpu.memory_space<semaphore_mem>>
        %dma_start3A_683 = tpu.memref_squeeze %dma_start3A_682 : memref<1x!tpu.dma_semaphore, #tpu.memory_space<semaphore_mem>> -> memref<!tpu.dma_semaphore, #tpu.memory_space<semaphore_mem>>
        tpu.enqueue_indirect_dma source(%dma_start3A_681 : memref<1000000x64xf32, #tpu.memory_space<hbm>>) target(%dma_start3A_675 : memref<50x64xf32, #tpu.memory_space<vmem>>) offsets(%dma_start3A_678 : memref<50xi32, #tpu.memory_space<vmem>>) semaphore(%dma_start3A_683 : memref<!tpu.dma_semaphore, #tpu.memory_space<semaphore_mem>>)
      } else {
      }
      %add3A_515 = arith.constant 5 : i32
      %add3A_516 = arith.addi %add3A_297, %add3A_515 : i32
      %dma_wait3A_517 = arith.constant 5 : i32
      %dma_wait3A_518 = arith.constant 5 : i32
      %dma_wait3A_519 = arith.constant 0 : i32
      %dma_wait3A_520 = arith.constant 0 : i32
      %dma_wait3A_521 = tpu.memref_slice %arg6[%dma_wait3A_517, %dma_wait3A_519, %dma_wait3A_520] : memref<8x50x64xf32, #tpu.memory_space<vmem>> -> memref<1x50x64xf32, #tpu.memory_space<vmem>>
      %dma_wait3A_522 = tpu.memref_squeeze %dma_wait3A_521 : memref<1x50x64xf32, #tpu.memory_space<vmem>> -> memref<50x64xf32, #tpu.memory_space<vmem>>
      %dma_wait3A_523 = arith.constant 0 : i32
      %dma_wait3A_524 = tpu.memref_slice %arg5[%add3A_516, %dma_wait3A_523] : memref<128x50xi32, #tpu.memory_space<vmem>> -> memref<1x50xi32, #tpu.memory_space<vmem>>
      %dma_wait3A_525 = tpu.memref_squeeze %dma_wait3A_524 : memref<1x50xi32, #tpu.memory_space<vmem>> -> memref<50xi32, #tpu.memory_space<vmem>>
      %dma_wait3A_526 = arith.constant 0 : i32
      %dma_wait3A_527 = arith.constant 0 : i32
      %dma_wait3A_528 = tpu.memref_slice %arg3[%dma_wait3A_526, %dma_wait3A_527] : memref<1000000x64xf32, #tpu.memory_space<hbm>> -> memref<1000000x64xf32, #tpu.memory_space<hbm>>
      %dma_wait3A_529 = tpu.memref_slice %arg7[%dma_wait3A_518] : memref<8x!tpu.dma_semaphore, #tpu.memory_space<semaphore_mem>> -> memref<1x!tpu.dma_semaphore, #tpu.memory_space<semaphore_mem>>
      %dma_wait3A_530 = tpu.memref_squeeze %dma_wait3A_529 : memref<1x!tpu.dma_semaphore, #tpu.memory_space<semaphore_mem>> -> memref<!tpu.dma_semaphore, #tpu.memory_space<semaphore_mem>>
      tpu.wait_indirect_dma semaphore(%dma_wait3A_530 : memref<!tpu.dma_semaphore, #tpu.memory_space<semaphore_mem>>) src(%dma_wait3A_528 : memref<1000000x64xf32, #tpu.memory_space<hbm>>) dst(%dma_wait3A_522 : memref<50x64xf32, #tpu.memory_space<vmem>>)
      %add3A_531 = arith.addi %mul3A_2, %add3A_516 : i32
      %dma_start3A_532 = arith.constant 5 : i32
      %dma_start3A_533 = arith.constant 5 : i32
      %dma_start3A_534 = arith.constant 0 : i32
      %dma_start3A_535 = arith.constant 0 : i32
      %dma_start3A_536 = tpu.memref_slice %arg6[%dma_start3A_532, %dma_start3A_534, %dma_start3A_535] : memref<8x50x64xf32, #tpu.memory_space<vmem>> -> memref<1x50x64xf32, #tpu.memory_space<vmem>>
      %dma_start3A_537 = tpu.memref_squeeze %dma_start3A_536 : memref<1x50x64xf32, #tpu.memory_space<vmem>> -> memref<50x64xf32, #tpu.memory_space<vmem>>
      %dma_start3A_538 = arith.constant 0 : i32
      %dma_start3A_539 = arith.constant 0 : i32
      %dma_start3A_540 = tpu.memref_slice %arg4[%add3A_531, %dma_start3A_538, %dma_start3A_539] : memref<4096x50x64xf32, #tpu.memory_space<hbm>> -> memref<1x50x64xf32, #tpu.memory_space<hbm>>
      %dma_start3A_541 = tpu.memref_squeeze %dma_start3A_540 : memref<1x50x64xf32, #tpu.memory_space<hbm>> -> memref<50x64xf32, #tpu.memory_space<hbm>>
      %dma_start3A_542 = tpu.memref_slice %arg8[%dma_start3A_533] : memref<8x!tpu.dma_semaphore, #tpu.memory_space<semaphore_mem>> -> memref<1x!tpu.dma_semaphore, #tpu.memory_space<semaphore_mem>>
      %dma_start3A_543 = tpu.memref_squeeze %dma_start3A_542 : memref<1x!tpu.dma_semaphore, #tpu.memory_space<semaphore_mem>> -> memref<!tpu.dma_semaphore, #tpu.memory_space<semaphore_mem>>
      %dma_start3A_544 = arith.constant 0 : i32
      %dma_start3A_545 = arith.constant 0 : i32
      %dma_start3A_546 = tpu.memref_slice %arg4[%add3A_531, %dma_start3A_544, %dma_start3A_545] : memref<4096x50x64xf32, #tpu.memory_space<hbm>> -> memref<1x50x64xf32, #tpu.memory_space<hbm>>
      %dma_start3A_547 = tpu.memref_squeeze %dma_start3A_546 : memref<1x50x64xf32, #tpu.memory_space<hbm>> -> memref<50x64xf32, #tpu.memory_space<hbm>>
      %dma_start3A_548 = arith.constant 0 : i32
      %dma_start3A_549 = arith.constant 0 : i32
      %dma_start3A_550 = tpu.memref_slice %arg6[%dma_start3A_532, %dma_start3A_548, %dma_start3A_549] : memref<8x50x64xf32, #tpu.memory_space<vmem>> -> memref<1x50x64xf32, #tpu.memory_space<vmem>>
      %dma_start3A_551 = tpu.memref_squeeze %dma_start3A_550 : memref<1x50x64xf32, #tpu.memory_space<vmem>> -> memref<50x64xf32, #tpu.memory_space<vmem>>
      tpu.enqueue_dma source(%dma_start3A_551 : memref<50x64xf32, #tpu.memory_space<vmem>>) target(%dma_start3A_547 : memref<50x64xf32, #tpu.memory_space<hbm>>) target_semaphore(%dma_start3A_543 : memref<!tpu.dma_semaphore, #tpu.memory_space<semaphore_mem>>)
      %add3A_552 = arith.constant 8 : i32
      %add3A_553 = arith.addi %add3A_516, %add3A_552 : i32
      %lt3A_554 = arith.constant 128 : i32
      %lt3A_555 = arith.cmpi slt, %add3A_553, %lt3A_554 : i32
      %convert_element_type3A_556 = arith.extui %lt3A_555 : i1 to i32
      %cond3A_557 = arith.constant 0 : i32
      %cond3A_558 = arith.cmpi ne, %convert_element_type3A_556, %cond3A_557 : i32
      scf.if %cond3A_558 {
        %dma_wait3A_647 = arith.constant 5 : i32
        %dma_wait3A_648 = arith.constant 0 : i32
        %dma_wait3A_649 = arith.constant 5 : i32
        %dma_wait3A_650 = arith.constant 0 : i32
        %dma_wait3A_651 = arith.constant 0 : i32
        %dma_wait3A_652 = tpu.memref_slice %arg6[%dma_wait3A_647, %dma_wait3A_650, %dma_wait3A_651] : memref<8x50x64xf32, #tpu.memory_space<vmem>> -> memref<1x50x64xf32, #tpu.memory_space<vmem>>
        %dma_wait3A_653 = tpu.memref_squeeze %dma_wait3A_652 : memref<1x50x64xf32, #tpu.memory_space<vmem>> -> memref<50x64xf32, #tpu.memory_space<vmem>>
        %dma_wait3A_654 = arith.constant 0 : i32
        %dma_wait3A_655 = arith.constant 0 : i32
        %dma_wait3A_656 = tpu.memref_slice %arg4[%dma_wait3A_648, %dma_wait3A_654, %dma_wait3A_655] : memref<4096x50x64xf32, #tpu.memory_space<hbm>> -> memref<1x50x64xf32, #tpu.memory_space<hbm>>
        %dma_wait3A_657 = tpu.memref_squeeze %dma_wait3A_656 : memref<1x50x64xf32, #tpu.memory_space<hbm>> -> memref<50x64xf32, #tpu.memory_space<hbm>>
        %dma_wait3A_658 = tpu.memref_slice %arg8[%dma_wait3A_649] : memref<8x!tpu.dma_semaphore, #tpu.memory_space<semaphore_mem>> -> memref<1x!tpu.dma_semaphore, #tpu.memory_space<semaphore_mem>>
        %dma_wait3A_659 = tpu.memref_squeeze %dma_wait3A_658 : memref<1x!tpu.dma_semaphore, #tpu.memory_space<semaphore_mem>> -> memref<!tpu.dma_semaphore, #tpu.memory_space<semaphore_mem>>
        %dma_wait3A_660 = arith.constant 0 : i32
        %dma_wait3A_661 = arith.constant 0 : i32
        %dma_wait3A_662 = tpu.memref_slice %arg4[%dma_wait3A_648, %dma_wait3A_660, %dma_wait3A_661] : memref<4096x50x64xf32, #tpu.memory_space<hbm>> -> memref<1x50x64xf32, #tpu.memory_space<hbm>>
        %dma_wait3A_663 = tpu.memref_squeeze %dma_wait3A_662 : memref<1x50x64xf32, #tpu.memory_space<hbm>> -> memref<50x64xf32, #tpu.memory_space<hbm>>
        %dma_wait3A_664 = arith.constant 0 : i32
        %dma_wait3A_665 = arith.constant 0 : i32
        %dma_wait3A_666 = tpu.memref_slice %arg6[%dma_wait3A_647, %dma_wait3A_664, %dma_wait3A_665] : memref<8x50x64xf32, #tpu.memory_space<vmem>> -> memref<1x50x64xf32, #tpu.memory_space<vmem>>
        %dma_wait3A_667 = tpu.memref_squeeze %dma_wait3A_666 : memref<1x50x64xf32, #tpu.memory_space<vmem>> -> memref<50x64xf32, #tpu.memory_space<vmem>>
        tpu.wait_dma2 semaphore(%dma_wait3A_659 : memref<!tpu.dma_semaphore, #tpu.memory_space<semaphore_mem>>) src(%dma_wait3A_667 : memref<50x64xf32, #tpu.memory_space<vmem>>) dst(%dma_wait3A_663 : memref<50x64xf32, #tpu.memory_space<hbm>>)
        %add3A_668 = arith.constant 8 : i32
        %add3A_669 = arith.addi %add3A_516, %add3A_668 : i32
        %dma_start3A_670 = arith.constant 5 : i32
        %dma_start3A_671 = arith.constant 5 : i32
        %dma_start3A_672 = arith.constant 0 : i32
        %dma_start3A_673 = arith.constant 0 : i32
        %dma_start3A_674 = tpu.memref_slice %arg6[%dma_start3A_670, %dma_start3A_672, %dma_start3A_673] : memref<8x50x64xf32, #tpu.memory_space<vmem>> -> memref<1x50x64xf32, #tpu.memory_space<vmem>>
        %dma_start3A_675 = tpu.memref_squeeze %dma_start3A_674 : memref<1x50x64xf32, #tpu.memory_space<vmem>> -> memref<50x64xf32, #tpu.memory_space<vmem>>
        %dma_start3A_676 = arith.constant 0 : i32
        %dma_start3A_677 = tpu.memref_slice %arg5[%add3A_669, %dma_start3A_676] : memref<128x50xi32, #tpu.memory_space<vmem>> -> memref<1x50xi32, #tpu.memory_space<vmem>>
        %dma_start3A_678 = tpu.memref_squeeze %dma_start3A_677 : memref<1x50xi32, #tpu.memory_space<vmem>> -> memref<50xi32, #tpu.memory_space<vmem>>
        %dma_start3A_679 = arith.constant 0 : i32
        %dma_start3A_680 = arith.constant 0 : i32
        %dma_start3A_681 = tpu.memref_slice %arg3[%dma_start3A_679, %dma_start3A_680] : memref<1000000x64xf32, #tpu.memory_space<hbm>> -> memref<1000000x64xf32, #tpu.memory_space<hbm>>
        %dma_start3A_682 = tpu.memref_slice %arg7[%dma_start3A_671] : memref<8x!tpu.dma_semaphore, #tpu.memory_space<semaphore_mem>> -> memref<1x!tpu.dma_semaphore, #tpu.memory_space<semaphore_mem>>
        %dma_start3A_683 = tpu.memref_squeeze %dma_start3A_682 : memref<1x!tpu.dma_semaphore, #tpu.memory_space<semaphore_mem>> -> memref<!tpu.dma_semaphore, #tpu.memory_space<semaphore_mem>>
        tpu.enqueue_indirect_dma source(%dma_start3A_681 : memref<1000000x64xf32, #tpu.memory_space<hbm>>) target(%dma_start3A_675 : memref<50x64xf32, #tpu.memory_space<vmem>>) offsets(%dma_start3A_678 : memref<50xi32, #tpu.memory_space<vmem>>) semaphore(%dma_start3A_683 : memref<!tpu.dma_semaphore, #tpu.memory_space<semaphore_mem>>)
      } else {
      }
      %add3A_559 = arith.constant 6 : i32
      %add3A_560 = arith.addi %add3A_297, %add3A_559 : i32
      %dma_wait3A_561 = arith.constant 6 : i32
      %dma_wait3A_562 = arith.constant 6 : i32
      %dma_wait3A_563 = arith.constant 0 : i32
      %dma_wait3A_564 = arith.constant 0 : i32
      %dma_wait3A_565 = tpu.memref_slice %arg6[%dma_wait3A_561, %dma_wait3A_563, %dma_wait3A_564] : memref<8x50x64xf32, #tpu.memory_space<vmem>> -> memref<1x50x64xf32, #tpu.memory_space<vmem>>
      %dma_wait3A_566 = tpu.memref_squeeze %dma_wait3A_565 : memref<1x50x64xf32, #tpu.memory_space<vmem>> -> memref<50x64xf32, #tpu.memory_space<vmem>>
      %dma_wait3A_567 = arith.constant 0 : i32
      %dma_wait3A_568 = tpu.memref_slice %arg5[%add3A_560, %dma_wait3A_567] : memref<128x50xi32, #tpu.memory_space<vmem>> -> memref<1x50xi32, #tpu.memory_space<vmem>>
      %dma_wait3A_569 = tpu.memref_squeeze %dma_wait3A_568 : memref<1x50xi32, #tpu.memory_space<vmem>> -> memref<50xi32, #tpu.memory_space<vmem>>
      %dma_wait3A_570 = arith.constant 0 : i32
      %dma_wait3A_571 = arith.constant 0 : i32
      %dma_wait3A_572 = tpu.memref_slice %arg3[%dma_wait3A_570, %dma_wait3A_571] : memref<1000000x64xf32, #tpu.memory_space<hbm>> -> memref<1000000x64xf32, #tpu.memory_space<hbm>>
      %dma_wait3A_573 = tpu.memref_slice %arg7[%dma_wait3A_562] : memref<8x!tpu.dma_semaphore, #tpu.memory_space<semaphore_mem>> -> memref<1x!tpu.dma_semaphore, #tpu.memory_space<semaphore_mem>>
      %dma_wait3A_574 = tpu.memref_squeeze %dma_wait3A_573 : memref<1x!tpu.dma_semaphore, #tpu.memory_space<semaphore_mem>> -> memref<!tpu.dma_semaphore, #tpu.memory_space<semaphore_mem>>
      tpu.wait_indirect_dma semaphore(%dma_wait3A_574 : memref<!tpu.dma_semaphore, #tpu.memory_space<semaphore_mem>>) src(%dma_wait3A_572 : memref<1000000x64xf32, #tpu.memory_space<hbm>>) dst(%dma_wait3A_566 : memref<50x64xf32, #tpu.memory_space<vmem>>)
      %add3A_575 = arith.addi %mul3A_2, %add3A_560 : i32
      %dma_start3A_576 = arith.constant 6 : i32
      %dma_start3A_577 = arith.constant 6 : i32
      %dma_start3A_578 = arith.constant 0 : i32
      %dma_start3A_579 = arith.constant 0 : i32
      %dma_start3A_580 = tpu.memref_slice %arg6[%dma_start3A_576, %dma_start3A_578, %dma_start3A_579] : memref<8x50x64xf32, #tpu.memory_space<vmem>> -> memref<1x50x64xf32, #tpu.memory_space<vmem>>
      %dma_start3A_581 = tpu.memref_squeeze %dma_start3A_580 : memref<1x50x64xf32, #tpu.memory_space<vmem>> -> memref<50x64xf32, #tpu.memory_space<vmem>>
      %dma_start3A_582 = arith.constant 0 : i32
      %dma_start3A_583 = arith.constant 0 : i32
      %dma_start3A_584 = tpu.memref_slice %arg4[%add3A_575, %dma_start3A_582, %dma_start3A_583] : memref<4096x50x64xf32, #tpu.memory_space<hbm>> -> memref<1x50x64xf32, #tpu.memory_space<hbm>>
      %dma_start3A_585 = tpu.memref_squeeze %dma_start3A_584 : memref<1x50x64xf32, #tpu.memory_space<hbm>> -> memref<50x64xf32, #tpu.memory_space<hbm>>
      %dma_start3A_586 = tpu.memref_slice %arg8[%dma_start3A_577] : memref<8x!tpu.dma_semaphore, #tpu.memory_space<semaphore_mem>> -> memref<1x!tpu.dma_semaphore, #tpu.memory_space<semaphore_mem>>
      %dma_start3A_587 = tpu.memref_squeeze %dma_start3A_586 : memref<1x!tpu.dma_semaphore, #tpu.memory_space<semaphore_mem>> -> memref<!tpu.dma_semaphore, #tpu.memory_space<semaphore_mem>>
      %dma_start3A_588 = arith.constant 0 : i32
      %dma_start3A_589 = arith.constant 0 : i32
      %dma_start3A_590 = tpu.memref_slice %arg4[%add3A_575, %dma_start3A_588, %dma_start3A_589] : memref<4096x50x64xf32, #tpu.memory_space<hbm>> -> memref<1x50x64xf32, #tpu.memory_space<hbm>>
      %dma_start3A_591 = tpu.memref_squeeze %dma_start3A_590 : memref<1x50x64xf32, #tpu.memory_space<hbm>> -> memref<50x64xf32, #tpu.memory_space<hbm>>
      %dma_start3A_592 = arith.constant 0 : i32
      %dma_start3A_593 = arith.constant 0 : i32
      %dma_start3A_594 = tpu.memref_slice %arg6[%dma_start3A_576, %dma_start3A_592, %dma_start3A_593] : memref<8x50x64xf32, #tpu.memory_space<vmem>> -> memref<1x50x64xf32, #tpu.memory_space<vmem>>
      %dma_start3A_595 = tpu.memref_squeeze %dma_start3A_594 : memref<1x50x64xf32, #tpu.memory_space<vmem>> -> memref<50x64xf32, #tpu.memory_space<vmem>>
      tpu.enqueue_dma source(%dma_start3A_595 : memref<50x64xf32, #tpu.memory_space<vmem>>) target(%dma_start3A_591 : memref<50x64xf32, #tpu.memory_space<hbm>>) target_semaphore(%dma_start3A_587 : memref<!tpu.dma_semaphore, #tpu.memory_space<semaphore_mem>>)
      %add3A_596 = arith.constant 8 : i32
      %add3A_597 = arith.addi %add3A_560, %add3A_596 : i32
      %lt3A_598 = arith.constant 128 : i32
      %lt3A_599 = arith.cmpi slt, %add3A_597, %lt3A_598 : i32
      %convert_element_type3A_600 = arith.extui %lt3A_599 : i1 to i32
      %cond3A_601 = arith.constant 0 : i32
      %cond3A_602 = arith.cmpi ne, %convert_element_type3A_600, %cond3A_601 : i32
      scf.if %cond3A_602 {
        %dma_wait3A_647 = arith.constant 6 : i32
        %dma_wait3A_648 = arith.constant 0 : i32
        %dma_wait3A_649 = arith.constant 6 : i32
        %dma_wait3A_650 = arith.constant 0 : i32
        %dma_wait3A_651 = arith.constant 0 : i32
        %dma_wait3A_652 = tpu.memref_slice %arg6[%dma_wait3A_647, %dma_wait3A_650, %dma_wait3A_651] : memref<8x50x64xf32, #tpu.memory_space<vmem>> -> memref<1x50x64xf32, #tpu.memory_space<vmem>>
        %dma_wait3A_653 = tpu.memref_squeeze %dma_wait3A_652 : memref<1x50x64xf32, #tpu.memory_space<vmem>> -> memref<50x64xf32, #tpu.memory_space<vmem>>
        %dma_wait3A_654 = arith.constant 0 : i32
        %dma_wait3A_655 = arith.constant 0 : i32
        %dma_wait3A_656 = tpu.memref_slice %arg4[%dma_wait3A_648, %dma_wait3A_654, %dma_wait3A_655] : memref<4096x50x64xf32, #tpu.memory_space<hbm>> -> memref<1x50x64xf32, #tpu.memory_space<hbm>>
        %dma_wait3A_657 = tpu.memref_squeeze %dma_wait3A_656 : memref<1x50x64xf32, #tpu.memory_space<hbm>> -> memref<50x64xf32, #tpu.memory_space<hbm>>
        %dma_wait3A_658 = tpu.memref_slice %arg8[%dma_wait3A_649] : memref<8x!tpu.dma_semaphore, #tpu.memory_space<semaphore_mem>> -> memref<1x!tpu.dma_semaphore, #tpu.memory_space<semaphore_mem>>
        %dma_wait3A_659 = tpu.memref_squeeze %dma_wait3A_658 : memref<1x!tpu.dma_semaphore, #tpu.memory_space<semaphore_mem>> -> memref<!tpu.dma_semaphore, #tpu.memory_space<semaphore_mem>>
        %dma_wait3A_660 = arith.constant 0 : i32
        %dma_wait3A_661 = arith.constant 0 : i32
        %dma_wait3A_662 = tpu.memref_slice %arg4[%dma_wait3A_648, %dma_wait3A_660, %dma_wait3A_661] : memref<4096x50x64xf32, #tpu.memory_space<hbm>> -> memref<1x50x64xf32, #tpu.memory_space<hbm>>
        %dma_wait3A_663 = tpu.memref_squeeze %dma_wait3A_662 : memref<1x50x64xf32, #tpu.memory_space<hbm>> -> memref<50x64xf32, #tpu.memory_space<hbm>>
        %dma_wait3A_664 = arith.constant 0 : i32
        %dma_wait3A_665 = arith.constant 0 : i32
        %dma_wait3A_666 = tpu.memref_slice %arg6[%dma_wait3A_647, %dma_wait3A_664, %dma_wait3A_665] : memref<8x50x64xf32, #tpu.memory_space<vmem>> -> memref<1x50x64xf32, #tpu.memory_space<vmem>>
        %dma_wait3A_667 = tpu.memref_squeeze %dma_wait3A_666 : memref<1x50x64xf32, #tpu.memory_space<vmem>> -> memref<50x64xf32, #tpu.memory_space<vmem>>
        tpu.wait_dma2 semaphore(%dma_wait3A_659 : memref<!tpu.dma_semaphore, #tpu.memory_space<semaphore_mem>>) src(%dma_wait3A_667 : memref<50x64xf32, #tpu.memory_space<vmem>>) dst(%dma_wait3A_663 : memref<50x64xf32, #tpu.memory_space<hbm>>)
        %add3A_668 = arith.constant 8 : i32
        %add3A_669 = arith.addi %add3A_560, %add3A_668 : i32
        %dma_start3A_670 = arith.constant 6 : i32
        %dma_start3A_671 = arith.constant 6 : i32
        %dma_start3A_672 = arith.constant 0 : i32
        %dma_start3A_673 = arith.constant 0 : i32
        %dma_start3A_674 = tpu.memref_slice %arg6[%dma_start3A_670, %dma_start3A_672, %dma_start3A_673] : memref<8x50x64xf32, #tpu.memory_space<vmem>> -> memref<1x50x64xf32, #tpu.memory_space<vmem>>
        %dma_start3A_675 = tpu.memref_squeeze %dma_start3A_674 : memref<1x50x64xf32, #tpu.memory_space<vmem>> -> memref<50x64xf32, #tpu.memory_space<vmem>>
        %dma_start3A_676 = arith.constant 0 : i32
        %dma_start3A_677 = tpu.memref_slice %arg5[%add3A_669, %dma_start3A_676] : memref<128x50xi32, #tpu.memory_space<vmem>> -> memref<1x50xi32, #tpu.memory_space<vmem>>
        %dma_start3A_678 = tpu.memref_squeeze %dma_start3A_677 : memref<1x50xi32, #tpu.memory_space<vmem>> -> memref<50xi32, #tpu.memory_space<vmem>>
        %dma_start3A_679 = arith.constant 0 : i32
        %dma_start3A_680 = arith.constant 0 : i32
        %dma_start3A_681 = tpu.memref_slice %arg3[%dma_start3A_679, %dma_start3A_680] : memref<1000000x64xf32, #tpu.memory_space<hbm>> -> memref<1000000x64xf32, #tpu.memory_space<hbm>>
        %dma_start3A_682 = tpu.memref_slice %arg7[%dma_start3A_671] : memref<8x!tpu.dma_semaphore, #tpu.memory_space<semaphore_mem>> -> memref<1x!tpu.dma_semaphore, #tpu.memory_space<semaphore_mem>>
        %dma_start3A_683 = tpu.memref_squeeze %dma_start3A_682 : memref<1x!tpu.dma_semaphore, #tpu.memory_space<semaphore_mem>> -> memref<!tpu.dma_semaphore, #tpu.memory_space<semaphore_mem>>
        tpu.enqueue_indirect_dma source(%dma_start3A_681 : memref<1000000x64xf32, #tpu.memory_space<hbm>>) target(%dma_start3A_675 : memref<50x64xf32, #tpu.memory_space<vmem>>) offsets(%dma_start3A_678 : memref<50xi32, #tpu.memory_space<vmem>>) semaphore(%dma_start3A_683 : memref<!tpu.dma_semaphore, #tpu.memory_space<semaphore_mem>>)
      } else {
      }
      %add3A_603 = arith.constant 7 : i32
      %add3A_604 = arith.addi %add3A_297, %add3A_603 : i32
      %dma_wait3A_605 = arith.constant 7 : i32
      %dma_wait3A_606 = arith.constant 7 : i32
      %dma_wait3A_607 = arith.constant 0 : i32
      %dma_wait3A_608 = arith.constant 0 : i32
      %dma_wait3A_609 = tpu.memref_slice %arg6[%dma_wait3A_605, %dma_wait3A_607, %dma_wait3A_608] : memref<8x50x64xf32, #tpu.memory_space<vmem>> -> memref<1x50x64xf32, #tpu.memory_space<vmem>>
      %dma_wait3A_610 = tpu.memref_squeeze %dma_wait3A_609 : memref<1x50x64xf32, #tpu.memory_space<vmem>> -> memref<50x64xf32, #tpu.memory_space<vmem>>
      %dma_wait3A_611 = arith.constant 0 : i32
      %dma_wait3A_612 = tpu.memref_slice %arg5[%add3A_604, %dma_wait3A_611] : memref<128x50xi32, #tpu.memory_space<vmem>> -> memref<1x50xi32, #tpu.memory_space<vmem>>
      %dma_wait3A_613 = tpu.memref_squeeze %dma_wait3A_612 : memref<1x50xi32, #tpu.memory_space<vmem>> -> memref<50xi32, #tpu.memory_space<vmem>>
      %dma_wait3A_614 = arith.constant 0 : i32
      %dma_wait3A_615 = arith.constant 0 : i32
      %dma_wait3A_616 = tpu.memref_slice %arg3[%dma_wait3A_614, %dma_wait3A_615] : memref<1000000x64xf32, #tpu.memory_space<hbm>> -> memref<1000000x64xf32, #tpu.memory_space<hbm>>
      %dma_wait3A_617 = tpu.memref_slice %arg7[%dma_wait3A_606] : memref<8x!tpu.dma_semaphore, #tpu.memory_space<semaphore_mem>> -> memref<1x!tpu.dma_semaphore, #tpu.memory_space<semaphore_mem>>
      %dma_wait3A_618 = tpu.memref_squeeze %dma_wait3A_617 : memref<1x!tpu.dma_semaphore, #tpu.memory_space<semaphore_mem>> -> memref<!tpu.dma_semaphore, #tpu.memory_space<semaphore_mem>>
      tpu.wait_indirect_dma semaphore(%dma_wait3A_618 : memref<!tpu.dma_semaphore, #tpu.memory_space<semaphore_mem>>) src(%dma_wait3A_616 : memref<1000000x64xf32, #tpu.memory_space<hbm>>) dst(%dma_wait3A_610 : memref<50x64xf32, #tpu.memory_space<vmem>>)
      %add3A_619 = arith.addi %mul3A_2, %add3A_604 : i32
      %dma_start3A_620 = arith.constant 7 : i32
      %dma_start3A_621 = arith.constant 7 : i32
      %dma_start3A_622 = arith.constant 0 : i32
      %dma_start3A_623 = arith.constant 0 : i32
      %dma_start3A_624 = tpu.memref_slice %arg6[%dma_start3A_620, %dma_start3A_622, %dma_start3A_623] : memref<8x50x64xf32, #tpu.memory_space<vmem>> -> memref<1x50x64xf32, #tpu.memory_space<vmem>>
      %dma_start3A_625 = tpu.memref_squeeze %dma_start3A_624 : memref<1x50x64xf32, #tpu.memory_space<vmem>> -> memref<50x64xf32, #tpu.memory_space<vmem>>
      %dma_start3A_626 = arith.constant 0 : i32
      %dma_start3A_627 = arith.constant 0 : i32
      %dma_start3A_628 = tpu.memref_slice %arg4[%add3A_619, %dma_start3A_626, %dma_start3A_627] : memref<4096x50x64xf32, #tpu.memory_space<hbm>> -> memref<1x50x64xf32, #tpu.memory_space<hbm>>
      %dma_start3A_629 = tpu.memref_squeeze %dma_start3A_628 : memref<1x50x64xf32, #tpu.memory_space<hbm>> -> memref<50x64xf32, #tpu.memory_space<hbm>>
      %dma_start3A_630 = tpu.memref_slice %arg8[%dma_start3A_621] : memref<8x!tpu.dma_semaphore, #tpu.memory_space<semaphore_mem>> -> memref<1x!tpu.dma_semaphore, #tpu.memory_space<semaphore_mem>>
      %dma_start3A_631 = tpu.memref_squeeze %dma_start3A_630 : memref<1x!tpu.dma_semaphore, #tpu.memory_space<semaphore_mem>> -> memref<!tpu.dma_semaphore, #tpu.memory_space<semaphore_mem>>
      %dma_start3A_632 = arith.constant 0 : i32
      %dma_start3A_633 = arith.constant 0 : i32
      %dma_start3A_634 = tpu.memref_slice %arg4[%add3A_619, %dma_start3A_632, %dma_start3A_633] : memref<4096x50x64xf32, #tpu.memory_space<hbm>> -> memref<1x50x64xf32, #tpu.memory_space<hbm>>
      %dma_start3A_635 = tpu.memref_squeeze %dma_start3A_634 : memref<1x50x64xf32, #tpu.memory_space<hbm>> -> memref<50x64xf32, #tpu.memory_space<hbm>>
      %dma_start3A_636 = arith.constant 0 : i32
      %dma_start3A_637 = arith.constant 0 : i32
      %dma_start3A_638 = tpu.memref_slice %arg6[%dma_start3A_620, %dma_start3A_636, %dma_start3A_637] : memref<8x50x64xf32, #tpu.memory_space<vmem>> -> memref<1x50x64xf32, #tpu.memory_space<vmem>>
      %dma_start3A_639 = tpu.memref_squeeze %dma_start3A_638 : memref<1x50x64xf32, #tpu.memory_space<vmem>> -> memref<50x64xf32, #tpu.memory_space<vmem>>
      tpu.enqueue_dma source(%dma_start3A_639 : memref<50x64xf32, #tpu.memory_space<vmem>>) target(%dma_start3A_635 : memref<50x64xf32, #tpu.memory_space<hbm>>) target_semaphore(%dma_start3A_631 : memref<!tpu.dma_semaphore, #tpu.memory_space<semaphore_mem>>)
      %add3A_640 = arith.constant 8 : i32
      %add3A_641 = arith.addi %add3A_604, %add3A_640 : i32
      %lt3A_642 = arith.constant 128 : i32
      %lt3A_643 = arith.cmpi slt, %add3A_641, %lt3A_642 : i32
      %convert_element_type3A_644 = arith.extui %lt3A_643 : i1 to i32
      %cond3A_645 = arith.constant 0 : i32
      %cond3A_646 = arith.cmpi ne, %convert_element_type3A_644, %cond3A_645 : i32
      scf.if %cond3A_646 {
        %dma_wait3A_647 = arith.constant 7 : i32
        %dma_wait3A_648 = arith.constant 0 : i32
        %dma_wait3A_649 = arith.constant 7 : i32
        %dma_wait3A_650 = arith.constant 0 : i32
        %dma_wait3A_651 = arith.constant 0 : i32
        %dma_wait3A_652 = tpu.memref_slice %arg6[%dma_wait3A_647, %dma_wait3A_650, %dma_wait3A_651] : memref<8x50x64xf32, #tpu.memory_space<vmem>> -> memref<1x50x64xf32, #tpu.memory_space<vmem>>
        %dma_wait3A_653 = tpu.memref_squeeze %dma_wait3A_652 : memref<1x50x64xf32, #tpu.memory_space<vmem>> -> memref<50x64xf32, #tpu.memory_space<vmem>>
        %dma_wait3A_654 = arith.constant 0 : i32
        %dma_wait3A_655 = arith.constant 0 : i32
        %dma_wait3A_656 = tpu.memref_slice %arg4[%dma_wait3A_648, %dma_wait3A_654, %dma_wait3A_655] : memref<4096x50x64xf32, #tpu.memory_space<hbm>> -> memref<1x50x64xf32, #tpu.memory_space<hbm>>
        %dma_wait3A_657 = tpu.memref_squeeze %dma_wait3A_656 : memref<1x50x64xf32, #tpu.memory_space<hbm>> -> memref<50x64xf32, #tpu.memory_space<hbm>>
        %dma_wait3A_658 = tpu.memref_slice %arg8[%dma_wait3A_649] : memref<8x!tpu.dma_semaphore, #tpu.memory_space<semaphore_mem>> -> memref<1x!tpu.dma_semaphore, #tpu.memory_space<semaphore_mem>>
        %dma_wait3A_659 = tpu.memref_squeeze %dma_wait3A_658 : memref<1x!tpu.dma_semaphore, #tpu.memory_space<semaphore_mem>> -> memref<!tpu.dma_semaphore, #tpu.memory_space<semaphore_mem>>
        %dma_wait3A_660 = arith.constant 0 : i32
        %dma_wait3A_661 = arith.constant 0 : i32
        %dma_wait3A_662 = tpu.memref_slice %arg4[%dma_wait3A_648, %dma_wait3A_660, %dma_wait3A_661] : memref<4096x50x64xf32, #tpu.memory_space<hbm>> -> memref<1x50x64xf32, #tpu.memory_space<hbm>>
        %dma_wait3A_663 = tpu.memref_squeeze %dma_wait3A_662 : memref<1x50x64xf32, #tpu.memory_space<hbm>> -> memref<50x64xf32, #tpu.memory_space<hbm>>
        %dma_wait3A_664 = arith.constant 0 : i32
        %dma_wait3A_665 = arith.constant 0 : i32
        %dma_wait3A_666 = tpu.memref_slice %arg6[%dma_wait3A_647, %dma_wait3A_664, %dma_wait3A_665] : memref<8x50x64xf32, #tpu.memory_space<vmem>> -> memref<1x50x64xf32, #tpu.memory_space<vmem>>
        %dma_wait3A_667 = tpu.memref_squeeze %dma_wait3A_666 : memref<1x50x64xf32, #tpu.memory_space<vmem>> -> memref<50x64xf32, #tpu.memory_space<vmem>>
        tpu.wait_dma2 semaphore(%dma_wait3A_659 : memref<!tpu.dma_semaphore, #tpu.memory_space<semaphore_mem>>) src(%dma_wait3A_667 : memref<50x64xf32, #tpu.memory_space<vmem>>) dst(%dma_wait3A_663 : memref<50x64xf32, #tpu.memory_space<hbm>>)
        %add3A_668 = arith.constant 8 : i32
        %add3A_669 = arith.addi %add3A_604, %add3A_668 : i32
        %dma_start3A_670 = arith.constant 7 : i32
        %dma_start3A_671 = arith.constant 7 : i32
        %dma_start3A_672 = arith.constant 0 : i32
        %dma_start3A_673 = arith.constant 0 : i32
        %dma_start3A_674 = tpu.memref_slice %arg6[%dma_start3A_670, %dma_start3A_672, %dma_start3A_673] : memref<8x50x64xf32, #tpu.memory_space<vmem>> -> memref<1x50x64xf32, #tpu.memory_space<vmem>>
        %dma_start3A_675 = tpu.memref_squeeze %dma_start3A_674 : memref<1x50x64xf32, #tpu.memory_space<vmem>> -> memref<50x64xf32, #tpu.memory_space<vmem>>
        %dma_start3A_676 = arith.constant 0 : i32
        %dma_start3A_677 = tpu.memref_slice %arg5[%add3A_669, %dma_start3A_676] : memref<128x50xi32, #tpu.memory_space<vmem>> -> memref<1x50xi32, #tpu.memory_space<vmem>>
        %dma_start3A_678 = tpu.memref_squeeze %dma_start3A_677 : memref<1x50xi32, #tpu.memory_space<vmem>> -> memref<50xi32, #tpu.memory_space<vmem>>
        %dma_start3A_679 = arith.constant 0 : i32
        %dma_start3A_680 = arith.constant 0 : i32
        %dma_start3A_681 = tpu.memref_slice %arg3[%dma_start3A_679, %dma_start3A_680] : memref<1000000x64xf32, #tpu.memory_space<hbm>> -> memref<1000000x64xf32, #tpu.memory_space<hbm>>
        %dma_start3A_682 = tpu.memref_slice %arg7[%dma_start3A_671] : memref<8x!tpu.dma_semaphore, #tpu.memory_space<semaphore_mem>> -> memref<1x!tpu.dma_semaphore, #tpu.memory_space<semaphore_mem>>
        %dma_start3A_683 = tpu.memref_squeeze %dma_start3A_682 : memref<1x!tpu.dma_semaphore, #tpu.memory_space<semaphore_mem>> -> memref<!tpu.dma_semaphore, #tpu.memory_space<semaphore_mem>>
        tpu.enqueue_indirect_dma source(%dma_start3A_681 : memref<1000000x64xf32, #tpu.memory_space<hbm>>) target(%dma_start3A_675 : memref<50x64xf32, #tpu.memory_space<vmem>>) offsets(%dma_start3A_678 : memref<50xi32, #tpu.memory_space<vmem>>) semaphore(%dma_start3A_683 : memref<!tpu.dma_semaphore, #tpu.memory_space<semaphore_mem>>)
      } else {
      }
    }
    %scan3A_125 = arith.constant 16 : i32
    %dma_wait3A = arith.constant 0 : i32
    %dma_wait3A_126 = arith.constant 0 : i32
    %dma_wait3A_127 = arith.constant 0 : i32
    %dma_wait3A_128 = arith.constant 0 : i32
    %dma_wait3A_129 = arith.constant 0 : i32
    %dma_wait3A_130 = tpu.memref_slice %arg6[%dma_wait3A, %dma_wait3A_128, %dma_wait3A_129] : memref<8x50x64xf32, #tpu.memory_space<vmem>> -> memref<1x50x64xf32, #tpu.memory_space<vmem>>
    %dma_wait3A_131 = tpu.memref_squeeze %dma_wait3A_130 : memref<1x50x64xf32, #tpu.memory_space<vmem>> -> memref<50x64xf32, #tpu.memory_space<vmem>>
    %dma_wait3A_132 = arith.constant 0 : i32
    %dma_wait3A_133 = arith.constant 0 : i32
    %dma_wait3A_134 = tpu.memref_slice %arg4[%dma_wait3A_126, %dma_wait3A_132, %dma_wait3A_133] : memref<4096x50x64xf32, #tpu.memory_space<hbm>> -> memref<1x50x64xf32, #tpu.memory_space<hbm>>
    %dma_wait3A_135 = tpu.memref_squeeze %dma_wait3A_134 : memref<1x50x64xf32, #tpu.memory_space<hbm>> -> memref<50x64xf32, #tpu.memory_space<hbm>>
    %dma_wait3A_136 = tpu.memref_slice %arg8[%dma_wait3A_127] : memref<8x!tpu.dma_semaphore, #tpu.memory_space<semaphore_mem>> -> memref<1x!tpu.dma_semaphore, #tpu.memory_space<semaphore_mem>>
    %dma_wait3A_137 = tpu.memref_squeeze %dma_wait3A_136 : memref<1x!tpu.dma_semaphore, #tpu.memory_space<semaphore_mem>> -> memref<!tpu.dma_semaphore, #tpu.memory_space<semaphore_mem>>
    %dma_wait3A_138 = arith.constant 0 : i32
    %dma_wait3A_139 = arith.constant 0 : i32
    %dma_wait3A_140 = tpu.memref_slice %arg4[%dma_wait3A_126, %dma_wait3A_138, %dma_wait3A_139] : memref<4096x50x64xf32, #tpu.memory_space<hbm>> -> memref<1x50x64xf32, #tpu.memory_space<hbm>>
    %dma_wait3A_141 = tpu.memref_squeeze %dma_wait3A_140 : memref<1x50x64xf32, #tpu.memory_space<hbm>> -> memref<50x64xf32, #tpu.memory_space<hbm>>
    %dma_wait3A_142 = arith.constant 0 : i32
    %dma_wait3A_143 = arith.constant 0 : i32
    %dma_wait3A_144 = tpu.memref_slice %arg6[%dma_wait3A, %dma_wait3A_142, %dma_wait3A_143] : memref<8x50x64xf32, #tpu.memory_space<vmem>> -> memref<1x50x64xf32, #tpu.memory_space<vmem>>
    %dma_wait3A_145 = tpu.memref_squeeze %dma_wait3A_144 : memref<1x50x64xf32, #tpu.memory_space<vmem>> -> memref<50x64xf32, #tpu.memory_space<vmem>>
    tpu.wait_dma2 semaphore(%dma_wait3A_137 : memref<!tpu.dma_semaphore, #tpu.memory_space<semaphore_mem>>) src(%dma_wait3A_145 : memref<50x64xf32, #tpu.memory_space<vmem>>) dst(%dma_wait3A_141 : memref<50x64xf32, #tpu.memory_space<hbm>>)
    %dma_wait3A_146 = arith.constant 1 : i32
    %dma_wait3A_147 = arith.constant 0 : i32
    %dma_wait3A_148 = arith.constant 1 : i32
    %dma_wait3A_149 = arith.constant 0 : i32
    %dma_wait3A_150 = arith.constant 0 : i32
    %dma_wait3A_151 = tpu.memref_slice %arg6[%dma_wait3A_146, %dma_wait3A_149, %dma_wait3A_150] : memref<8x50x64xf32, #tpu.memory_space<vmem>> -> memref<1x50x64xf32, #tpu.memory_space<vmem>>
    %dma_wait3A_152 = tpu.memref_squeeze %dma_wait3A_151 : memref<1x50x64xf32, #tpu.memory_space<vmem>> -> memref<50x64xf32, #tpu.memory_space<vmem>>
    %dma_wait3A_153 = arith.constant 0 : i32
    %dma_wait3A_154 = arith.constant 0 : i32
    %dma_wait3A_155 = tpu.memref_slice %arg4[%dma_wait3A_147, %dma_wait3A_153, %dma_wait3A_154] : memref<4096x50x64xf32, #tpu.memory_space<hbm>> -> memref<1x50x64xf32, #tpu.memory_space<hbm>>
    %dma_wait3A_156 = tpu.memref_squeeze %dma_wait3A_155 : memref<1x50x64xf32, #tpu.memory_space<hbm>> -> memref<50x64xf32, #tpu.memory_space<hbm>>
    %dma_wait3A_157 = tpu.memref_slice %arg8[%dma_wait3A_148] : memref<8x!tpu.dma_semaphore, #tpu.memory_space<semaphore_mem>> -> memref<1x!tpu.dma_semaphore, #tpu.memory_space<semaphore_mem>>
    %dma_wait3A_158 = tpu.memref_squeeze %dma_wait3A_157 : memref<1x!tpu.dma_semaphore, #tpu.memory_space<semaphore_mem>> -> memref<!tpu.dma_semaphore, #tpu.memory_space<semaphore_mem>>
    %dma_wait3A_159 = arith.constant 0 : i32
    %dma_wait3A_160 = arith.constant 0 : i32
    %dma_wait3A_161 = tpu.memref_slice %arg4[%dma_wait3A_147, %dma_wait3A_159, %dma_wait3A_160] : memref<4096x50x64xf32, #tpu.memory_space<hbm>> -> memref<1x50x64xf32, #tpu.memory_space<hbm>>
    %dma_wait3A_162 = tpu.memref_squeeze %dma_wait3A_161 : memref<1x50x64xf32, #tpu.memory_space<hbm>> -> memref<50x64xf32, #tpu.memory_space<hbm>>
    %dma_wait3A_163 = arith.constant 0 : i32
    %dma_wait3A_164 = arith.constant 0 : i32
    %dma_wait3A_165 = tpu.memref_slice %arg6[%dma_wait3A_146, %dma_wait3A_163, %dma_wait3A_164] : memref<8x50x64xf32, #tpu.memory_space<vmem>> -> memref<1x50x64xf32, #tpu.memory_space<vmem>>
    %dma_wait3A_166 = tpu.memref_squeeze %dma_wait3A_165 : memref<1x50x64xf32, #tpu.memory_space<vmem>> -> memref<50x64xf32, #tpu.memory_space<vmem>>
    tpu.wait_dma2 semaphore(%dma_wait3A_158 : memref<!tpu.dma_semaphore, #tpu.memory_space<semaphore_mem>>) src(%dma_wait3A_166 : memref<50x64xf32, #tpu.memory_space<vmem>>) dst(%dma_wait3A_162 : memref<50x64xf32, #tpu.memory_space<hbm>>)
    %dma_wait3A_167 = arith.constant 2 : i32
    %dma_wait3A_168 = arith.constant 0 : i32
    %dma_wait3A_169 = arith.constant 2 : i32
    %dma_wait3A_170 = arith.constant 0 : i32
    %dma_wait3A_171 = arith.constant 0 : i32
    %dma_wait3A_172 = tpu.memref_slice %arg6[%dma_wait3A_167, %dma_wait3A_170, %dma_wait3A_171] : memref<8x50x64xf32, #tpu.memory_space<vmem>> -> memref<1x50x64xf32, #tpu.memory_space<vmem>>
    %dma_wait3A_173 = tpu.memref_squeeze %dma_wait3A_172 : memref<1x50x64xf32, #tpu.memory_space<vmem>> -> memref<50x64xf32, #tpu.memory_space<vmem>>
    %dma_wait3A_174 = arith.constant 0 : i32
    %dma_wait3A_175 = arith.constant 0 : i32
    %dma_wait3A_176 = tpu.memref_slice %arg4[%dma_wait3A_168, %dma_wait3A_174, %dma_wait3A_175] : memref<4096x50x64xf32, #tpu.memory_space<hbm>> -> memref<1x50x64xf32, #tpu.memory_space<hbm>>
    %dma_wait3A_177 = tpu.memref_squeeze %dma_wait3A_176 : memref<1x50x64xf32, #tpu.memory_space<hbm>> -> memref<50x64xf32, #tpu.memory_space<hbm>>
    %dma_wait3A_178 = tpu.memref_slice %arg8[%dma_wait3A_169] : memref<8x!tpu.dma_semaphore, #tpu.memory_space<semaphore_mem>> -> memref<1x!tpu.dma_semaphore, #tpu.memory_space<semaphore_mem>>
    %dma_wait3A_179 = tpu.memref_squeeze %dma_wait3A_178 : memref<1x!tpu.dma_semaphore, #tpu.memory_space<semaphore_mem>> -> memref<!tpu.dma_semaphore, #tpu.memory_space<semaphore_mem>>
    %dma_wait3A_180 = arith.constant 0 : i32
    %dma_wait3A_181 = arith.constant 0 : i32
    %dma_wait3A_182 = tpu.memref_slice %arg4[%dma_wait3A_168, %dma_wait3A_180, %dma_wait3A_181] : memref<4096x50x64xf32, #tpu.memory_space<hbm>> -> memref<1x50x64xf32, #tpu.memory_space<hbm>>
    %dma_wait3A_183 = tpu.memref_squeeze %dma_wait3A_182 : memref<1x50x64xf32, #tpu.memory_space<hbm>> -> memref<50x64xf32, #tpu.memory_space<hbm>>
    %dma_wait3A_184 = arith.constant 0 : i32
    %dma_wait3A_185 = arith.constant 0 : i32
    %dma_wait3A_186 = tpu.memref_slice %arg6[%dma_wait3A_167, %dma_wait3A_184, %dma_wait3A_185] : memref<8x50x64xf32, #tpu.memory_space<vmem>> -> memref<1x50x64xf32, #tpu.memory_space<vmem>>
    %dma_wait3A_187 = tpu.memref_squeeze %dma_wait3A_186 : memref<1x50x64xf32, #tpu.memory_space<vmem>> -> memref<50x64xf32, #tpu.memory_space<vmem>>
    tpu.wait_dma2 semaphore(%dma_wait3A_179 : memref<!tpu.dma_semaphore, #tpu.memory_space<semaphore_mem>>) src(%dma_wait3A_187 : memref<50x64xf32, #tpu.memory_space<vmem>>) dst(%dma_wait3A_183 : memref<50x64xf32, #tpu.memory_space<hbm>>)
    %dma_wait3A_188 = arith.constant 3 : i32
    %dma_wait3A_189 = arith.constant 0 : i32
    %dma_wait3A_190 = arith.constant 3 : i32
    %dma_wait3A_191 = arith.constant 0 : i32
    %dma_wait3A_192 = arith.constant 0 : i32
    %dma_wait3A_193 = tpu.memref_slice %arg6[%dma_wait3A_188, %dma_wait3A_191, %dma_wait3A_192] : memref<8x50x64xf32, #tpu.memory_space<vmem>> -> memref<1x50x64xf32, #tpu.memory_space<vmem>>
    %dma_wait3A_194 = tpu.memref_squeeze %dma_wait3A_193 : memref<1x50x64xf32, #tpu.memory_space<vmem>> -> memref<50x64xf32, #tpu.memory_space<vmem>>
    %dma_wait3A_195 = arith.constant 0 : i32
    %dma_wait3A_196 = arith.constant 0 : i32
    %dma_wait3A_197 = tpu.memref_slice %arg4[%dma_wait3A_189, %dma_wait3A_195, %dma_wait3A_196] : memref<4096x50x64xf32, #tpu.memory_space<hbm>> -> memref<1x50x64xf32, #tpu.memory_space<hbm>>
    %dma_wait3A_198 = tpu.memref_squeeze %dma_wait3A_197 : memref<1x50x64xf32, #tpu.memory_space<hbm>> -> memref<50x64xf32, #tpu.memory_space<hbm>>
    %dma_wait3A_199 = tpu.memref_slice %arg8[%dma_wait3A_190] : memref<8x!tpu.dma_semaphore, #tpu.memory_space<semaphore_mem>> -> memref<1x!tpu.dma_semaphore, #tpu.memory_space<semaphore_mem>>
    %dma_wait3A_200 = tpu.memref_squeeze %dma_wait3A_199 : memref<1x!tpu.dma_semaphore, #tpu.memory_space<semaphore_mem>> -> memref<!tpu.dma_semaphore, #tpu.memory_space<semaphore_mem>>
    %dma_wait3A_201 = arith.constant 0 : i32
    %dma_wait3A_202 = arith.constant 0 : i32
    %dma_wait3A_203 = tpu.memref_slice %arg4[%dma_wait3A_189, %dma_wait3A_201, %dma_wait3A_202] : memref<4096x50x64xf32, #tpu.memory_space<hbm>> -> memref<1x50x64xf32, #tpu.memory_space<hbm>>
    %dma_wait3A_204 = tpu.memref_squeeze %dma_wait3A_203 : memref<1x50x64xf32, #tpu.memory_space<hbm>> -> memref<50x64xf32, #tpu.memory_space<hbm>>
    %dma_wait3A_205 = arith.constant 0 : i32
    %dma_wait3A_206 = arith.constant 0 : i32
    %dma_wait3A_207 = tpu.memref_slice %arg6[%dma_wait3A_188, %dma_wait3A_205, %dma_wait3A_206] : memref<8x50x64xf32, #tpu.memory_space<vmem>> -> memref<1x50x64xf32, #tpu.memory_space<vmem>>
    %dma_wait3A_208 = tpu.memref_squeeze %dma_wait3A_207 : memref<1x50x64xf32, #tpu.memory_space<vmem>> -> memref<50x64xf32, #tpu.memory_space<vmem>>
    tpu.wait_dma2 semaphore(%dma_wait3A_200 : memref<!tpu.dma_semaphore, #tpu.memory_space<semaphore_mem>>) src(%dma_wait3A_208 : memref<50x64xf32, #tpu.memory_space<vmem>>) dst(%dma_wait3A_204 : memref<50x64xf32, #tpu.memory_space<hbm>>)
    %dma_wait3A_209 = arith.constant 4 : i32
    %dma_wait3A_210 = arith.constant 0 : i32
    %dma_wait3A_211 = arith.constant 4 : i32
    %dma_wait3A_212 = arith.constant 0 : i32
    %dma_wait3A_213 = arith.constant 0 : i32
    %dma_wait3A_214 = tpu.memref_slice %arg6[%dma_wait3A_209, %dma_wait3A_212, %dma_wait3A_213] : memref<8x50x64xf32, #tpu.memory_space<vmem>> -> memref<1x50x64xf32, #tpu.memory_space<vmem>>
    %dma_wait3A_215 = tpu.memref_squeeze %dma_wait3A_214 : memref<1x50x64xf32, #tpu.memory_space<vmem>> -> memref<50x64xf32, #tpu.memory_space<vmem>>
    %dma_wait3A_216 = arith.constant 0 : i32
    %dma_wait3A_217 = arith.constant 0 : i32
    %dma_wait3A_218 = tpu.memref_slice %arg4[%dma_wait3A_210, %dma_wait3A_216, %dma_wait3A_217] : memref<4096x50x64xf32, #tpu.memory_space<hbm>> -> memref<1x50x64xf32, #tpu.memory_space<hbm>>
    %dma_wait3A_219 = tpu.memref_squeeze %dma_wait3A_218 : memref<1x50x64xf32, #tpu.memory_space<hbm>> -> memref<50x64xf32, #tpu.memory_space<hbm>>
    %dma_wait3A_220 = tpu.memref_slice %arg8[%dma_wait3A_211] : memref<8x!tpu.dma_semaphore, #tpu.memory_space<semaphore_mem>> -> memref<1x!tpu.dma_semaphore, #tpu.memory_space<semaphore_mem>>
    %dma_wait3A_221 = tpu.memref_squeeze %dma_wait3A_220 : memref<1x!tpu.dma_semaphore, #tpu.memory_space<semaphore_mem>> -> memref<!tpu.dma_semaphore, #tpu.memory_space<semaphore_mem>>
    %dma_wait3A_222 = arith.constant 0 : i32
    %dma_wait3A_223 = arith.constant 0 : i32
    %dma_wait3A_224 = tpu.memref_slice %arg4[%dma_wait3A_210, %dma_wait3A_222, %dma_wait3A_223] : memref<4096x50x64xf32, #tpu.memory_space<hbm>> -> memref<1x50x64xf32, #tpu.memory_space<hbm>>
    %dma_wait3A_225 = tpu.memref_squeeze %dma_wait3A_224 : memref<1x50x64xf32, #tpu.memory_space<hbm>> -> memref<50x64xf32, #tpu.memory_space<hbm>>
    %dma_wait3A_226 = arith.constant 0 : i32
    %dma_wait3A_227 = arith.constant 0 : i32
    %dma_wait3A_228 = tpu.memref_slice %arg6[%dma_wait3A_209, %dma_wait3A_226, %dma_wait3A_227] : memref<8x50x64xf32, #tpu.memory_space<vmem>> -> memref<1x50x64xf32, #tpu.memory_space<vmem>>
    %dma_wait3A_229 = tpu.memref_squeeze %dma_wait3A_228 : memref<1x50x64xf32, #tpu.memory_space<vmem>> -> memref<50x64xf32, #tpu.memory_space<vmem>>
    tpu.wait_dma2 semaphore(%dma_wait3A_221 : memref<!tpu.dma_semaphore, #tpu.memory_space<semaphore_mem>>) src(%dma_wait3A_229 : memref<50x64xf32, #tpu.memory_space<vmem>>) dst(%dma_wait3A_225 : memref<50x64xf32, #tpu.memory_space<hbm>>)
    %dma_wait3A_230 = arith.constant 5 : i32
    %dma_wait3A_231 = arith.constant 0 : i32
    %dma_wait3A_232 = arith.constant 5 : i32
    %dma_wait3A_233 = arith.constant 0 : i32
    %dma_wait3A_234 = arith.constant 0 : i32
    %dma_wait3A_235 = tpu.memref_slice %arg6[%dma_wait3A_230, %dma_wait3A_233, %dma_wait3A_234] : memref<8x50x64xf32, #tpu.memory_space<vmem>> -> memref<1x50x64xf32, #tpu.memory_space<vmem>>
    %dma_wait3A_236 = tpu.memref_squeeze %dma_wait3A_235 : memref<1x50x64xf32, #tpu.memory_space<vmem>> -> memref<50x64xf32, #tpu.memory_space<vmem>>
    %dma_wait3A_237 = arith.constant 0 : i32
    %dma_wait3A_238 = arith.constant 0 : i32
    %dma_wait3A_239 = tpu.memref_slice %arg4[%dma_wait3A_231, %dma_wait3A_237, %dma_wait3A_238] : memref<4096x50x64xf32, #tpu.memory_space<hbm>> -> memref<1x50x64xf32, #tpu.memory_space<hbm>>
    %dma_wait3A_240 = tpu.memref_squeeze %dma_wait3A_239 : memref<1x50x64xf32, #tpu.memory_space<hbm>> -> memref<50x64xf32, #tpu.memory_space<hbm>>
    %dma_wait3A_241 = tpu.memref_slice %arg8[%dma_wait3A_232] : memref<8x!tpu.dma_semaphore, #tpu.memory_space<semaphore_mem>> -> memref<1x!tpu.dma_semaphore, #tpu.memory_space<semaphore_mem>>
    %dma_wait3A_242 = tpu.memref_squeeze %dma_wait3A_241 : memref<1x!tpu.dma_semaphore, #tpu.memory_space<semaphore_mem>> -> memref<!tpu.dma_semaphore, #tpu.memory_space<semaphore_mem>>
    %dma_wait3A_243 = arith.constant 0 : i32
    %dma_wait3A_244 = arith.constant 0 : i32
    %dma_wait3A_245 = tpu.memref_slice %arg4[%dma_wait3A_231, %dma_wait3A_243, %dma_wait3A_244] : memref<4096x50x64xf32, #tpu.memory_space<hbm>> -> memref<1x50x64xf32, #tpu.memory_space<hbm>>
    %dma_wait3A_246 = tpu.memref_squeeze %dma_wait3A_245 : memref<1x50x64xf32, #tpu.memory_space<hbm>> -> memref<50x64xf32, #tpu.memory_space<hbm>>
    %dma_wait3A_247 = arith.constant 0 : i32
    %dma_wait3A_248 = arith.constant 0 : i32
    %dma_wait3A_249 = tpu.memref_slice %arg6[%dma_wait3A_230, %dma_wait3A_247, %dma_wait3A_248] : memref<8x50x64xf32, #tpu.memory_space<vmem>> -> memref<1x50x64xf32, #tpu.memory_space<vmem>>
    %dma_wait3A_250 = tpu.memref_squeeze %dma_wait3A_249 : memref<1x50x64xf32, #tpu.memory_space<vmem>> -> memref<50x64xf32, #tpu.memory_space<vmem>>
    tpu.wait_dma2 semaphore(%dma_wait3A_242 : memref<!tpu.dma_semaphore, #tpu.memory_space<semaphore_mem>>) src(%dma_wait3A_250 : memref<50x64xf32, #tpu.memory_space<vmem>>) dst(%dma_wait3A_246 : memref<50x64xf32, #tpu.memory_space<hbm>>)
    %dma_wait3A_251 = arith.constant 6 : i32
    %dma_wait3A_252 = arith.constant 0 : i32
    %dma_wait3A_253 = arith.constant 6 : i32
    %dma_wait3A_254 = arith.constant 0 : i32
    %dma_wait3A_255 = arith.constant 0 : i32
    %dma_wait3A_256 = tpu.memref_slice %arg6[%dma_wait3A_251, %dma_wait3A_254, %dma_wait3A_255] : memref<8x50x64xf32, #tpu.memory_space<vmem>> -> memref<1x50x64xf32, #tpu.memory_space<vmem>>
    %dma_wait3A_257 = tpu.memref_squeeze %dma_wait3A_256 : memref<1x50x64xf32, #tpu.memory_space<vmem>> -> memref<50x64xf32, #tpu.memory_space<vmem>>
    %dma_wait3A_258 = arith.constant 0 : i32
    %dma_wait3A_259 = arith.constant 0 : i32
    %dma_wait3A_260 = tpu.memref_slice %arg4[%dma_wait3A_252, %dma_wait3A_258, %dma_wait3A_259] : memref<4096x50x64xf32, #tpu.memory_space<hbm>> -> memref<1x50x64xf32, #tpu.memory_space<hbm>>
    %dma_wait3A_261 = tpu.memref_squeeze %dma_wait3A_260 : memref<1x50x64xf32, #tpu.memory_space<hbm>> -> memref<50x64xf32, #tpu.memory_space<hbm>>
    %dma_wait3A_262 = tpu.memref_slice %arg8[%dma_wait3A_253] : memref<8x!tpu.dma_semaphore, #tpu.memory_space<semaphore_mem>> -> memref<1x!tpu.dma_semaphore, #tpu.memory_space<semaphore_mem>>
    %dma_wait3A_263 = tpu.memref_squeeze %dma_wait3A_262 : memref<1x!tpu.dma_semaphore, #tpu.memory_space<semaphore_mem>> -> memref<!tpu.dma_semaphore, #tpu.memory_space<semaphore_mem>>
    %dma_wait3A_264 = arith.constant 0 : i32
    %dma_wait3A_265 = arith.constant 0 : i32
    %dma_wait3A_266 = tpu.memref_slice %arg4[%dma_wait3A_252, %dma_wait3A_264, %dma_wait3A_265] : memref<4096x50x64xf32, #tpu.memory_space<hbm>> -> memref<1x50x64xf32, #tpu.memory_space<hbm>>
    %dma_wait3A_267 = tpu.memref_squeeze %dma_wait3A_266 : memref<1x50x64xf32, #tpu.memory_space<hbm>> -> memref<50x64xf32, #tpu.memory_space<hbm>>
    %dma_wait3A_268 = arith.constant 0 : i32
    %dma_wait3A_269 = arith.constant 0 : i32
    %dma_wait3A_270 = tpu.memref_slice %arg6[%dma_wait3A_251, %dma_wait3A_268, %dma_wait3A_269] : memref<8x50x64xf32, #tpu.memory_space<vmem>> -> memref<1x50x64xf32, #tpu.memory_space<vmem>>
    %dma_wait3A_271 = tpu.memref_squeeze %dma_wait3A_270 : memref<1x50x64xf32, #tpu.memory_space<vmem>> -> memref<50x64xf32, #tpu.memory_space<vmem>>
    tpu.wait_dma2 semaphore(%dma_wait3A_263 : memref<!tpu.dma_semaphore, #tpu.memory_space<semaphore_mem>>) src(%dma_wait3A_271 : memref<50x64xf32, #tpu.memory_space<vmem>>) dst(%dma_wait3A_267 : memref<50x64xf32, #tpu.memory_space<hbm>>)
    %dma_wait3A_272 = arith.constant 7 : i32
    %dma_wait3A_273 = arith.constant 0 : i32
    %dma_wait3A_274 = arith.constant 7 : i32
    %dma_wait3A_275 = arith.constant 0 : i32
    %dma_wait3A_276 = arith.constant 0 : i32
    %dma_wait3A_277 = tpu.memref_slice %arg6[%dma_wait3A_272, %dma_wait3A_275, %dma_wait3A_276] : memref<8x50x64xf32, #tpu.memory_space<vmem>> -> memref<1x50x64xf32, #tpu.memory_space<vmem>>
    %dma_wait3A_278 = tpu.memref_squeeze %dma_wait3A_277 : memref<1x50x64xf32, #tpu.memory_space<vmem>> -> memref<50x64xf32, #tpu.memory_space<vmem>>
    %dma_wait3A_279 = arith.constant 0 : i32
    %dma_wait3A_280 = arith.constant 0 : i32
    %dma_wait3A_281 = tpu.memref_slice %arg4[%dma_wait3A_273, %dma_wait3A_279, %dma_wait3A_280] : memref<4096x50x64xf32, #tpu.memory_space<hbm>> -> memref<1x50x64xf32, #tpu.memory_space<hbm>>
    %dma_wait3A_282 = tpu.memref_squeeze %dma_wait3A_281 : memref<1x50x64xf32, #tpu.memory_space<hbm>> -> memref<50x64xf32, #tpu.memory_space<hbm>>
    %dma_wait3A_283 = tpu.memref_slice %arg8[%dma_wait3A_274] : memref<8x!tpu.dma_semaphore, #tpu.memory_space<semaphore_mem>> -> memref<1x!tpu.dma_semaphore, #tpu.memory_space<semaphore_mem>>
    %dma_wait3A_284 = tpu.memref_squeeze %dma_wait3A_283 : memref<1x!tpu.dma_semaphore, #tpu.memory_space<semaphore_mem>> -> memref<!tpu.dma_semaphore, #tpu.memory_space<semaphore_mem>>
    %dma_wait3A_285 = arith.constant 0 : i32
    %dma_wait3A_286 = arith.constant 0 : i32
    %dma_wait3A_287 = tpu.memref_slice %arg4[%dma_wait3A_273, %dma_wait3A_285, %dma_wait3A_286] : memref<4096x50x64xf32, #tpu.memory_space<hbm>> -> memref<1x50x64xf32, #tpu.memory_space<hbm>>
    %dma_wait3A_288 = tpu.memref_squeeze %dma_wait3A_287 : memref<1x50x64xf32, #tpu.memory_space<hbm>> -> memref<50x64xf32, #tpu.memory_space<hbm>>
    %dma_wait3A_289 = arith.constant 0 : i32
    %dma_wait3A_290 = arith.constant 0 : i32
    %dma_wait3A_291 = tpu.memref_slice %arg6[%dma_wait3A_272, %dma_wait3A_289, %dma_wait3A_290] : memref<8x50x64xf32, #tpu.memory_space<vmem>> -> memref<1x50x64xf32, #tpu.memory_space<vmem>>
    %dma_wait3A_292 = tpu.memref_squeeze %dma_wait3A_291 : memref<1x50x64xf32, #tpu.memory_space<vmem>> -> memref<50x64xf32, #tpu.memory_space<vmem>>
    tpu.wait_dma2 semaphore(%dma_wait3A_284 : memref<!tpu.dma_semaphore, #tpu.memory_space<semaphore_mem>>) src(%dma_wait3A_292 : memref<50x64xf32, #tpu.memory_space<vmem>>) dst(%dma_wait3A_288 : memref<50x64xf32, #tpu.memory_space<hbm>>)
    return
  }
}

</mosaic_0001>

<sc_bundles>
// kernel: kernel.3.cloned.1.call-start
scs
__scs_entry_jumppad:
0x0: {  	(pc) =	sbr.rel $0x88, $3  }
0x1: {  	(tag) =	ssettag $0x0;
	lr =	simm.s32 $0x1  }
0x2: {  	[smem:$0x3F9F] =	sst lr;
	_ =	strace $0xD0000000  }
0x3: {  	_ = 	snop  }
0x4: {  	_ = 	snop  }
0x5: {  	_ = 	snop  }
0x6: {  	_ = 	snop  }
0x7: {  	_ = 	snop  }
__scs_overlays_trampoline_lowered:
0x8: {  	[smem:$0x3FAE] =	sst s0  }
0x9: {  	[smem:$0x3FAF] =	sst s1  }
0xa: {  	[smem:$0x3FB0] =	sst s2  }
0xb: {  	[smem:$0x3FB1] =	sst s3  }
0xc: {  	[smem:$0x3FB2] =	sst s4  }
0xd: {  	[smem:$0x3FB3] =	sst s5  }
0xe: {  	[smem:$0x3FB4] =	sst s6  }
0xf: {  	[smem:$0x3FB5] =	sst s7  }
0x10: {  	[smem:$0x3FB6] =	sst s8  }
0x11: {  	[smem:$0x3FB7] =	sst s9;
	s0 =	simm.s32 @!p0 $0x0  }
0x12: {  	s1 =	sld [smem:$0x3F9D];
	s0 =	simm.s32 @p0 $0x1  }
0x13: {  	[smem:$0x3FB8] =	sst s0;
	s0 =	simm.s32 @!p1 $0x0  }
0x14: {  	s2 =	sld [smem:$0x3F9C];
	s0 =	simm.s32 @p1 $0x1  }
0x15: {  	[smem:$0x3FB9] =	sst s0;
	s0 =	simm.s32 @!p2 $0x0  }
0x16: {  	s3 =	sld [smem:$0x3FDB];
	s0 =	simm.s32 @p2 $0x1  }
0x17: {  	s4 =	simm.s32 $0x1BF5;
	[smem:$0x3FBB] =	sst s0  }
0x18: {  	s0 =	sld [smem:$0x3F9E];
	_ =	swait.ge [sflag:s4], $0x0  }
0x19: {  	s7 =	sld [smem:$0x3F9F]  }
0x1a: {  	s8 =	sadd.s32 $0xFFFFE003, lr  }
0x1b: {  	s9 =	sadd.s32 $0xFFFFFEF7, lr;
	s5 =	simm.s32 $0xFFFFFFFF;
	p2 =	slt.u32 s8, $0xFFFFF086  }
0x1c: {  	p1 =	slt.u32 s9, $0xF7A;
	s5 =	simm.s32 @!p2 $0x0  }
0x1d: {  	s5 =	simm.s32 @p1 $0x1;
	p0 =	seq.s32 s7, s2  }
0x1e: {  	s7 =	smul.u32 @!p0 $0xF7A, s2;
	p2 =	seq.s32 @!p0 s5, $0x0  }
0x1f: {  	s9 =	smul.u32 $0xF7A, s1;
	s8 =	simm.s32 @!p0 $0x1BF5;
	p2 =	por !p2, p0  }
0x20: {  	[sflag:s8] =	ssyncset.s32 @!p0 $0xFFFFF086;
	s6 =	sadd.s32 @!p0 s3, s7;
	s7 =	simm.s32 @!p0 $0x108  }
0x21: {  	s3 =	sadd.s32 s3, s9;
	s6 =	sadd.s32 @!p0 $0x88, s6;
	s7 =	simm.s32 @p2 $0x1082  }
0x22: {  	[simem:s7], [sflag:s8] =	dma.local @!p0 [hbm:s6], $0xF7A  }
0x23: {  	s9 =	sor.u32 $0xD0000000, s2;
	s6 =	simm.s32 $0x108;
	_ =	swait.ge @!p0 [sflag:s8], $0x0  }
0x24: {  	s3 =	sadd.s32 $0x88, s3;
	s6 =	simm.s32 @!p1 $0x1082;
	[sflag:s4] =	ssyncset.s32 $0xFFFFF086  }
0x25: {  	[simem:s6], [sflag:s4] =	dma.local [hbm:s3], $0xF7A  }
0x26: {  	[smem:$0x3F9F] =	sst s1;
	(tag) =	ssettag s2;
	_ =	strace s9  }
0x27: {  	s1 =	sld [smem:$0x3FAF]  }
0x28: {  	s2 =	sld [smem:$0x3FB0]  }
0x29: {  	s4 =	sld [smem:$0x3FB2]  }
0x2a: {  	p0 =	seq.s32 s5, $0x0;
	s5 =	sld [smem:$0x3FB3]  }
0x2b: {  	s6 =	sld [smem:$0x3FB4]  }
0x2c: {  	s7 =	sld [smem:$0x3FB5]  }
0x2d: {  	s3 =	simm.s32 $0x108;
	s8 =	sld [smem:$0x3FB6]  }
0x2e: {  	s3 =	simm.s32 @!p0 $0x1082;
	s9 =	sld [smem:$0x3FB7]  }
0x2f: {  	lr =	sadd.s32 s0, s3;
	s0 =	sld [smem:$0x3FAE]  }
0x30: {  	s3 =	sld [smem:$0x3FB1]  }
0x31: {  	[smem:$0x3FBA] =	sst s10  }
0x32: {  	s10 =	sld [smem:$0x3FB8];
	_ =	sdelay $0x3  }
0x33: {  	p0 =	seq.s32 s10, $0x1;
	s10 =	sld [smem:$0x3FBA];
	_ =	sdelay $0x3  }
0x34: {  	[smem:$0x3FBA] =	sst s10  }
0x35: {  	s10 =	sld [smem:$0x3FB9];
	_ =	sdelay $0x3  }
0x36: {  	p1 =	seq.s32 s10, $0x1;
	s10 =	sld [smem:$0x3FBA];
	_ =	sdelay $0x3  }
0x37: {  	[smem:$0x3FBA] =	sst s10  }
0x38: {  	s10 =	sld [smem:$0x3FBB]  }
0x39: {  	_ = 	snop;
	(pc) =	sbr.ind lr, $3  }
0x3a: {  	_ = 	snop  }
0x3b: {  	_ = 	snop  }
0x3c: {  	p2 =	seq.s32 s10, $0x1;
	s10 =	sld [smem:$0x3FBA]  }
0x3d: {  	_ =	shalt  }
0x3e: {  	_ =	shalt  }
0x3f: {  	_ =	shalt  }
0x40: {  	_ =	shalt  }
0x41: {  	_ =	shalt  }
0x42: {  	_ =	shalt  }
0x43: {  	_ =	shalt  }
0x44: {  	_ =	shalt  }
0x45: {  	_ =	shalt  }
0x46: {  	_ =	shalt  }
0x47: {  	_ =	shalt  }
0x48: {  	_ =	shalt  }
0x49: {  	_ =	shalt  }
0x4a: {  	_ =	shalt  }
0x4b: {  	_ =	shalt  }
0x4c: {  	_ =	shalt  }
0x4d: {  	_ =	shalt  }
0x4e: {  	_ =	shalt  }
0x4f: {  	_ =	shalt  }
0x50: {  	_ =	shalt  }
0x51: {  	_ =	shalt  }
0x52: {  	_ =	shalt  }
0x53: {  	_ =	shalt  }
0x54: {  	_ =	shalt  }
0x55: {  	_ =	shalt  }
0x56: {  	_ =	shalt  }
0x57: {  	_ =	shalt  }
0x58: {  	_ =	shalt  }
0x59: {  	_ =	shalt  }
0x5a: {  	_ =	shalt  }
0x5b: {  	_ =	shalt  }
0x5c: {  	_ =	shalt  }
0x5d: {  	_ =	shalt  }
0x5e: {  	_ =	shalt  }
0x5f: {  	_ =	shalt  }
0x60: {  	_ =	shalt  }
0x61: {  	_ =	shalt  }
0x62: {  	_ =	shalt  }
0x63: {  	_ =	shalt  }
0x64: {  	_ =	shalt  }
0x65: {  	_ =	shalt  }
0x66: {  	_ =	shalt  }
0x67: {  	_ =	shalt  }
0x68: {  	_ =	shalt  }
0x69: {  	_ =	shalt  }
0x6a: {  	_ =	shalt  }
0x6b: {  	_ =	shalt  }
0x6c: {  	_ =	shalt  }
0x6d: {  	_ =	shalt  }
0x6e: {  	_ =	shalt  }
0x6f: {  	_ =	shalt  }
0x70: {  	_ =	shalt  }
0x71: {  	_ =	shalt  }
0x72: {  	_ =	shalt  }
0x73: {  	_ =	shalt  }
0x74: {  	_ =	shalt  }
0x75: {  	_ =	shalt  }
0x76: {  	_ =	shalt  }
0x77: {  	_ =	shalt  }
0x78: {  	_ =	shalt  }
0x79: {  	_ =	shalt  }
0x7a: {  	_ =	shalt  }
0x7b: {  	_ =	shalt  }
0x7c: {  	_ =	shalt  }
0x7d: {  	_ =	shalt  }
0x7e: {  	_ =	shalt  }
0x7f: {  	_ =	shalt  }
0x80: {  	_ =	shalt  }
0x81: {  	_ =	shalt  }
0x82: {  	_ =	shalt  }
0x83: {  	_ =	shalt  }
0x84: {  	_ =	shalt  }
0x85: {  	_ =	shalt  }
0x86: {  	_ =	shalt  }
0x87: {  	_ =	shalt  }
.Lfunc_end0:
.L_simem_size_0:
called_computation.1_lowered:
.L_overlay_start_0:
0x88: {  	s2 =	sld [smem:$0x3FD9]  }
0x89: {  	s3 =	sld [smem:$0x3FFE];
	_ =	sdelay $0x1  }
0x8a: {  	s1 =	srdreg.scid  }
0x8b: {  	s0 =	sand.u32 $0x1, s1  }
0x8c: {  	s17 =	sshll.u32 s0, $0xA;
	s2 =	sadd.s32 s3, s2  }
0x8d: {  	s2 =	sadd.s32 s2, s17  }
0x8e: {  	[smem:$0x3FC6] =	sst s2  }
0x8f: {  	_ = 	snop  }
0x90: {  	s2 =	sld [smem:$0x3FD0];
	(tm) =	ssettm $0x1  }
0x91: {  	s18 =	sld [smem:$0x3FFB];
	_ =	sdelay $0x3  }
0x92: {  	_ =	strace s18  }
0x93: {  	s3 =	sld [smem:$0x3FFC];
	_ =	sdelay $0x3  }
0x94: {  	_ =	strace s3  }
0x95: {  	s3 =	sld [smem:$0x3FFD];
	_ =	sdelay $0x3  }
0x96: {  	_ =	strace s3  }
0x97: {  	_ =	strace $0x8FFFFFFF  }
0x98: {  	s19 =	sld [smem:$0x3FDB];
	_ =	sdelay $0x1  }
0x99: {  	s4 =	simm.s32 $_scs_section_size  }
0x9a: {  	s5 =	simm.s32 $_size__tile_overlayer_lowered;
	s6 =	simm.s32 $_tile_overlayer_lowered  }
0x9b: {  	s22 =	simm.s32 $0x1BFF;
	s21 =	sshll.u32 s6, $0x1;
	s3 =	sadd.s32 s4, s19  }
0x9c: {  	s7 =	simm.s32 $0x0;
	s20 =	sshll.u32 s5, $0x1;
	s5 =	sadd.s32 s21, s3  }
0x9d: {  	[timem:s7], [sflag:s22] =	dma.local [hbm:s5], s20  }
0x9e: {  	_ =	swait.ge [sflag:s22], s20  }
0x9f: {  	s4 =	ssub.s32 $0x0, s20;
	[sflag:s22] =	ssyncset.done $0x0  }
0xa0: {  	[sflag:s22] =	ssyncadd.s32 s4;
	_ =	sdelay $0x1  }
0xa1: {  	s23 =	simm.s32 $0x1B8B  }
0xa2: {  	_ =	swait.ge [sflag:s23], $0x1  }
0xa3: {  	[sflag:s23] =	ssyncset.done $0x0  }
0xa4: {  	s25 =	simm.s32 $0x1B8E;
	s24 =	sld [smem:$0x3FFE];
	[sflag:s23] =	ssyncadd.s32 $0xFFFFFFFF  }
0xa5: {  	s26 =	simm.s32 $execute0_lowered;
	[smem:$0x3FD2] =	sst s25  }
0xa6: {  	s5 =	sshll.u32 s26, $0x1;
	_ =	strace $0x80000046;
	[dreg:$0x1] =	wrdreg $0xFFFFFFFF  }
0xa7: {  	s28 =	simm.s32 $_size_execute0_lowered;
	s3 =	sadd.s32 s3, s5;
	[dreg:$0x0] =	wrdreg $0x0  }
0xa8: {  	s5 =	sshll.u32 s28, $0x1;
	[dreg:$0x2] =	wrdreg s3  }
0xa9: {  	[dreg:$0x3] =	wrdreg s5  }
0xaa: {  	[dreg:$0x4] =	wrdreg $0xC0  }
0xab: {  	_ =	task [dreg:s7], $0x5FFFF  }
0xac: {  	[dreg:$0x1] =	wrdreg $0xFFFFFFFF  }
0xad: {  	[dreg:$0x0] =	wrdreg $0x60  }
0xae: {  	[dreg:$0x2] =	wrdreg s24  }
0xaf: {  	[dreg:$0x3] =	wrdreg s2  }
0xb0: {  	[dreg:$0x4] =	wrdreg $0x9  }
0xb1: {  	_ =	task.clear_ibuf [dreg:s7], $0x5FFFF;
	_ =	strace $0x90000046  }
0xb2: {  	s29 =	simm.s32 $0x9;
	_ =	strace $0x80000048  }
0xb3: {  	_ =	swait.ge [sflag:s29], $0x1  }
0xb4: {  	[sflag:s29] =	ssyncadd.s32 $0xFFFFFFFF  }
0xb5: {  	_ =	strace $0x90000048  }
0xb6: {  	_ =	sfence  }
0xb7: {  	s30 =	sld [smem:$0x0];
	_ =	sdelay $0x2  }
0xb8: {  	s31 =	sshll.u32 s1, $0xD;
	s1 =	sshrl.u32 s1, $0x2  }
0xb9: {  	s3 =	sand.u32 $0x4000, s31;
	s1 =	sadd.s32 s1, s30  }
0xba: {  	s0 =	sor.u32 s3, s0;
	s1 =	sshll.u32 s1, $0x11  }
0xbb: {  	s0 =	sor.u32 s1, s0  }
0xbc: {  	s0 =	sadd.s32 $0x8F2B, s0  }
0xbd: {  	[sflag:s0] =	ssyncadd.remote.s32 $0x1  }
0xbe: {  	_ =	sfence.sel $0xFFFF  }
0xbf: {  	[dreg:$0x0] =	wrdreg $0xFFFFFFFF;
	(pc) =	sbr.abs _section_cstart, $3  }
0xc0: {  	[dreg:$0x1] =	wrdreg $0xFFFFFFFF  }
0xc1: {  	_ =	task.clear_ibuf [dreg:s7], $0x2FFFF;
	_ =	strace $0x9FFFFFFF  }
0xc2: {  	(tm) =	ssettm $0x7FFFFFFF  }
0xc3: {  	_ =	shalt  }
tec
execute0_lowered:
.L_overlay_start_1:
0x0: {  	(tag) =	ssettag $0x1  }
0x1: {  	s0 =	srdreg.scid;
	s1 =	rddreg [dreg:$0x0]  }
0x2: {  	s7 =	stileid.u32;
	s4 =	rddreg [dreg:$0x1];
	s2 =	simm.s32 $0x0  }
0x3: {  	s8 =	simm.s32 $0x32;
	s9 =	simm.s32 $0x1C00;
	s11 =	simm.s32 $0x2880  }
0x4: {  	s13 =	simm.s32 $0x3500;
	s15 =	simm.s32 $0x4180;
	s17 =	simm.s32 $0x4E00  }
0x5: {  	s19 =	simm.s32 $0x5A80;
	s21 =	simm.s32 $0x6700;
	s23 =	simm.s32 $0x7380  }
0x6: {  	s24 =	simm.s32 $0x1;
	s28 =	simm.s32 $0x4;
	s29 =	simm.s32 $0x5  }
0x7: {  	s30 =	simm.s32 $0x6;
	s31 =	simm.s32 $0x7;
	s14 =	simm.s32 $0xC  }
0x8: {  	s16 =	simm.s32 $0xD;
	s18 =	simm.s32 $0xE;
	s20 =	simm.s32 $0xF  }
0x9: {  	s22 =	simm.s32 $0x10;
	s0 =	sand.u32 $0x1, s0;
	s3 =	sshll.u32 s7, $0x8  }
0xa: {  	[smem:$0x7FF] =	sst s2;
	s7 =	smul.u32 $0x19000, s7;
	s5 =	sshll.u32 s0, $0x7  }
0xb: {  	s6 =	ssub.s32 $0x2, s0;
	s0 =	smul.u32 $0xC800, s0;
	s3 =	sor.u32 s5, s3  }
0xc: {  	_ =	strace $0x80000047;
	s4 =	sadd.s32 s7, s4;
	s3 =	smul.u32 $0x7, s3  }
.Ltmp0:
0xd: {  	s26 =	sshrl.u32 s6, $0x1;
	s0 =	sadd.s32 s0, s4;
	(pc) =	sbr.rel .LBB2_1-.Ltmp0, $4  }
0xe: {  	s4 =	simm.s32 $0x0;
	[dreg:$0x5] =	wrdreg s0;
	s25 =	sadd.s32 s3, s1  }
0xf: {  	s3 =	sadd.s32 $0xF42E00, s1;
	s1 =	ssub.s32 s6, s26;
	s5 =	sadd.s32 $0xA00, s25  }
0x10: {  	s26 =	simm.s32 $0x3;
	s1 =	smax.u32 s1, $0x1;
	[dreg:$0x3] =	wrdreg s5  }
0x11: {  	s25 =	simm.s32 $0x2;
	[dreg:$0x4] =	wrdreg s1;
	s1 =	simm.s32 $0x8  }
.LBB2_4:
0x12: {  	s0 =	simm.s32 $0x9  }
0x13: {  	_ =	swait.ge [sflag:s0], $0xC80  }
0x14: {  	[sflag:s0] =	ssyncset.done $0x0  }
0x15: {  	s7 =	simm.s32 $0xA;
	[sflag:s0] =	ssyncadd.s32 $0xFFFFF380  }
0x16: {  	_ =	swait.ge [sflag:s7], $0xC80  }
0x17: {  	[sflag:s7] =	ssyncset.done $0x0  }
0x18: {  	s10 =	simm.s32 $0xB;
	[sflag:s7] =	ssyncadd.s32 $0xFFFFF380  }
0x19: {  	_ =	swait.ge [sflag:s10], $0xC80  }
0x1a: {  	[sflag:s10] =	ssyncset.done $0x0  }
0x1b: {  	[sflag:s10] =	ssyncadd.s32 $0xFFFFF380  }
0x1c: {  	_ =	swait.ge [sflag:s14], $0xC80  }
0x1d: {  	[sflag:s14] =	ssyncset.done $0x0  }
0x1e: {  	[sflag:s14] =	ssyncadd.s32 $0xFFFFF380  }
0x1f: {  	_ =	swait.ge [sflag:s16], $0xC80  }
0x20: {  	[sflag:s16] =	ssyncset.done $0x0  }
0x21: {  	[sflag:s16] =	ssyncadd.s32 $0xFFFFF380  }
0x22: {  	_ =	swait.ge [sflag:s18], $0xC80  }
0x23: {  	[sflag:s18] =	ssyncset.done $0x0  }
0x24: {  	[sflag:s18] =	ssyncadd.s32 $0xFFFFF380  }
0x25: {  	_ =	swait.ge [sflag:s20], $0xC80  }
0x26: {  	[sflag:s20] =	ssyncset.done $0x0  }
0x27: {  	[sflag:s20] =	ssyncadd.s32 $0xFFFFF380  }
0x28: {  	_ =	swait.ge [sflag:s22], $0xC80  }
0x29: {  	s4 =	sadd.s32 $0x1, s4;
	s12 =	rddreg [dreg:$0x4]  }
0x2a: {  	p0 =	sne.s32 s4, s12  }
.Ltmp1:
0x2b: {  	_ = 	snop;
	(pc) =	sbr.rel @!p0 .LBB2_5-.Ltmp1, $3  }
0x2c: {  	_ =	sdelay $0x1  }
0x2d: {  	[sflag:s22] =	ssyncset.done $0x0  }
0x2e: {  	[sflag:s22] =	ssyncadd.s32 $0xFFFFF380  }
.LBB2_1:
0x2f: {  	s0 =	rddreg [dreg:$0x3];
	s7 =	simm.s32 $0x11  }
0x30: {  	[tilespmem:s2], [sflag:$0x11] =	stream.linear.gather [hbm4b:s0+s2], $0x1C00, $0x38;
	[tilespmem:$0x8000] =	vst v63  }
0x31: {  	_ =	swait.ge [sflag:s7], $0x1C00  }
0x32: {  	[sflag:s7] =	ssyncset.done $0x0  }
0x33: {  	[sflag:s7] =	ssyncadd.s32 $0xFFFFE400  }
0x34: {  	[tilespmem:s9], [sflag:$0x1] =	stream.indirect.gather [hbm4b:s3+s8], $0x40, s2, s8, $0xb8;
	[tilespmem:$0x8000] =	vst v63  }
0x35: {  	s10 =	simm.s32 $0x38  }
0x36: {  	[tilespmem:s11], [sflag:$0x2] =	stream.indirect.gather [hbm4b:s3+s8], $0x40, s10, s8, $0xb8;
	[tilespmem:$0x8000] =	vst v63  }
0x37: {  	s12 =	simm.s32 $0x70  }
0x38: {  	[tilespmem:s13], [sflag:$0x3] =	stream.indirect.gather [hbm4b:s3+s8], $0x40, s12, s8, $0xb8;
	[tilespmem:$0x8000] =	vst v63  }
0x39: {  	s5 =	simm.s32 $0xA8  }
0x3a: {  	[tilespmem:s15], [sflag:$0x4] =	stream.indirect.gather [hbm4b:s3+s8], $0x40, s5, s8, $0xb8;
	[tilespmem:$0x8000] =	vst v63  }
0x3b: {  	s6 =	simm.s32 $0xE0  }
0x3c: {  	[tilespmem:s17], [sflag:$0x5] =	stream.indirect.gather [hbm4b:s3+s8], $0x40, s6, s8, $0xb8;
	[tilespmem:$0x8000] =	vst v63  }
0x3d: {  	s7 =	simm.s32 $0x118  }
0x3e: {  	[tilespmem:s19], [sflag:$0x6] =	stream.indirect.gather [hbm4b:s3+s8], $0x40, s7, s8, $0xb8;
	[tilespmem:$0x8000] =	vst v63  }
0x3f: {  	s10 =	simm.s32 $0x150  }
0x40: {  	[tilespmem:s21], [sflag:$0x7] =	stream.indirect.gather [hbm4b:s3+s8], $0x40, s10, s8, $0xb8;
	[tilespmem:$0x8000] =	vst v63  }
0x41: {  	s12 =	simm.s32 $0x188;
	s5 =	simm.s32 $0x0;
	s6 =	rddreg [dreg:$0x5]  }
0x42: {  	[tilespmem:s23], [sflag:$0x8] =	stream.indirect.gather [hbm4b:s3+s8], $0x40, s12, s8, $0xb8;
	[tilespmem:$0x8000] =	vst v63  }
.LBB2_2:
0x43: {  	_ =	swait.ge [sflag:s24], $0xC80  }
0x44: {  	p0 =	seq.s32 s5, $0x6900;
	[sflag:s24] =	ssyncset.done $0x0  }
0x45: {  	s0 =	simm.s32 @!p0 $0x9;
	[sflag:s24] =	ssyncadd.s32 $0xFFFFF380  }
0x46: {  	[hbm4b:s6+s2] =	stream.linear.scatter [tilespmem:s9], [sflag:$0x9], $0xC80, $0x38;
	[tilespmem:$0x8000] =	vst v63  }
0x47: {  	_ =	swait.ge @!p0 [sflag:s0], $0xC80  }
0x48: {  	s7 =	sshra.s32 @!p0 s5, $0x2;
	s12 =	simm.s32 @!p0 $0x1C00;
	[sflag:s0] =	ssyncset.done @!p0 $0x0  }
0x49: {  	s10 =	sadd.s32 @!p0 $0x1C0, s7;
	[sflag:s0] =	ssyncadd.s32 @!p0 $0xFFFFF380;
	s0 =	simm.s32 @!p0 $0x32  }
0x4a: {  	[tilespmem:s12], [sflag:$0x1] =	stream.indirect.gather @!p0 [hbm4b:s3+s0], $0x40, s10, s0, $0xb8;
	[tilespmem:$0x8000] =	vst v63  }
0x4b: {  	_ =	swait.ge [sflag:s25], $0xC80  }
0x4c: {  	[sflag:s25] =	ssyncset.done $0x0  }
0x4d: {  	s12 =	sadd.s32 $0x190, s6;
	s10 =	simm.s32 @!p0 $0xA;
	[sflag:s25] =	ssyncadd.s32 $0xFFFFF380  }
0x4e: {  	[hbm4b:s12+s2] =	stream.linear.scatter [tilespmem:s11], [sflag:$0xA], $0xC80, $0x38;
	[tilespmem:$0x8000] =	vst v63  }
0x4f: {  	_ =	swait.ge @!p0 [sflag:s10], $0xC80  }
0x50: {  	[sflag:s10] =	ssyncset.done @!p0 $0x0  }
0x51: {  	s12 =	simm.s32 @!p0 $0x2880;
	[sflag:s10] =	ssyncadd.s32 @!p0 $0xFFFFF380;
	s10 =	sadd.s32 @!p0 $0x1F8, s7  }
0x52: {  	[tilespmem:s12], [sflag:$0x2] =	stream.indirect.gather @!p0 [hbm4b:s3+s0], $0x40, s10, s0, $0xb8;
	[tilespmem:$0x8000] =	vst v63  }
0x53: {  	_ =	swait.ge [sflag:s26], $0xC80  }
0x54: {  	[sflag:s26] =	ssyncset.done $0x0  }
0x55: {  	s12 =	sadd.s32 $0x320, s6;
	s10 =	simm.s32 @!p0 $0xB;
	[sflag:s26] =	ssyncadd.s32 $0xFFFFF380  }
0x56: {  	[hbm4b:s12+s2] =	stream.linear.scatter [tilespmem:s13], [sflag:$0xB], $0xC80, $0x38;
	[tilespmem:$0x8000] =	vst v63  }
0x57: {  	_ =	swait.ge @!p0 [sflag:s10], $0xC80  }
0x58: {  	[sflag:s10] =	ssyncset.done @!p0 $0x0  }
0x59: {  	s12 =	simm.s32 @!p0 $0x3500;
	[sflag:s10] =	ssyncadd.s32 @!p0 $0xFFFFF380;
	s10 =	sadd.s32 @!p0 $0x230, s7  }
0x5a: {  	[tilespmem:s12], [sflag:$0x3] =	stream.indirect.gather @!p0 [hbm4b:s3+s0], $0x40, s10, s0, $0xb8;
	[tilespmem:$0x8000] =	vst v63  }
0x5b: {  	_ =	swait.ge [sflag:s28], $0xC80  }
0x5c: {  	[sflag:s28] =	ssyncset.done $0x0  }
0x5d: {  	s12 =	sadd.s32 $0x4B0, s6;
	s10 =	simm.s32 @!p0 $0xC;
	[sflag:s28] =	ssyncadd.s32 $0xFFFFF380  }
0x5e: {  	[hbm4b:s12+s2] =	stream.linear.scatter [tilespmem:s15], [sflag:$0xC], $0xC80, $0x38;
	[tilespmem:$0x8000] =	vst v63  }
0x5f: {  	_ =	swait.ge @!p0 [sflag:s10], $0xC80  }
0x60: {  	[sflag:s10] =	ssyncset.done @!p0 $0x0  }
0x61: {  	s12 =	simm.s32 @!p0 $0x4180;
	[sflag:s10] =	ssyncadd.s32 @!p0 $0xFFFFF380;
	s10 =	sadd.s32 @!p0 $0x268, s7  }
0x62: {  	[tilespmem:s12], [sflag:$0x4] =	stream.indirect.gather @!p0 [hbm4b:s3+s0], $0x40, s10, s0, $0xb8;
	[tilespmem:$0x8000] =	vst v63  }
0x63: {  	_ =	swait.ge [sflag:s29], $0xC80  }
0x64: {  	[sflag:s29] =	ssyncset.done $0x0  }
0x65: {  	s12 =	sadd.s32 $0x640, s6;
	s10 =	simm.s32 @!p0 $0xD;
	[sflag:s29] =	ssyncadd.s32 $0xFFFFF380  }
0x66: {  	[hbm4b:s12+s2] =	stream.linear.scatter [tilespmem:s17], [sflag:$0xD], $0xC80, $0x38;
	[tilespmem:$0x8000] =	vst v63  }
0x67: {  	_ =	swait.ge @!p0 [sflag:s10], $0xC80  }
0x68: {  	[sflag:s10] =	ssyncset.done @!p0 $0x0  }
0x69: {  	s12 =	simm.s32 @!p0 $0x4E00;
	[sflag:s10] =	ssyncadd.s32 @!p0 $0xFFFFF380;
	s10 =	sadd.s32 @!p0 $0x2A0, s7  }
0x6a: {  	[tilespmem:s12], [sflag:$0x5] =	stream.indirect.gather @!p0 [hbm4b:s3+s0], $0x40, s10, s0, $0xb8;
	[tilespmem:$0x8000] =	vst v63  }
0x6b: {  	_ =	swait.ge [sflag:s30], $0xC80  }
0x6c: {  	[sflag:s30] =	ssyncset.done $0x0  }
0x6d: {  	s12 =	sadd.s32 $0x7D0, s6;
	s10 =	simm.s32 @!p0 $0xE;
	[sflag:s30] =	ssyncadd.s32 $0xFFFFF380  }
0x6e: {  	[hbm4b:s12+s2] =	stream.linear.scatter [tilespmem:s19], [sflag:$0xE], $0xC80, $0x38;
	[tilespmem:$0x8000] =	vst v63  }
0x6f: {  	_ =	swait.ge @!p0 [sflag:s10], $0xC80  }
0x70: {  	[sflag:s10] =	ssyncset.done @!p0 $0x0  }
0x71: {  	s12 =	simm.s32 @!p0 $0x5A80;
	[sflag:s10] =	ssyncadd.s32 @!p0 $0xFFFFF380;
	s10 =	sadd.s32 @!p0 $0x2D8, s7  }
0x72: {  	[tilespmem:s12], [sflag:$0x6] =	stream.indirect.gather @!p0 [hbm4b:s3+s0], $0x40, s10, s0, $0xb8;
	[tilespmem:$0x8000] =	vst v63  }
0x73: {  	_ =	swait.ge [sflag:s31], $0xC80  }
0x74: {  	[sflag:s31] =	ssyncset.done $0x0  }
0x75: {  	s12 =	sadd.s32 $0x960, s6;
	s10 =	simm.s32 @!p0 $0xF;
	[sflag:s31] =	ssyncadd.s32 $0xFFFFF380  }
0x76: {  	[hbm4b:s12+s2] =	stream.linear.scatter [tilespmem:s21], [sflag:$0xF], $0xC80, $0x38;
	[tilespmem:$0x8000] =	vst v63  }
0x77: {  	_ =	swait.ge @!p0 [sflag:s10], $0xC80  }
0x78: {  	[sflag:s10] =	ssyncset.done @!p0 $0x0  }
0x79: {  	s7 =	sadd.s32 @!p0 $0x310, s7;
	[sflag:s10] =	ssyncadd.s32 @!p0 $0xFFFFF380;
	s10 =	simm.s32 @!p0 $0x6700  }
0x7a: {  	[tilespmem:s10], [sflag:$0x7] =	stream.indirect.gather @!p0 [hbm4b:s3+s0], $0x40, s7, s0, $0xb8;
	[tilespmem:$0x8000] =	vst v63  }
.Ltmp2:
0x7b: {  	_ = 	snop;
	(pc) =	sbr.rel @p0 .LBB2_4-.Ltmp2, $4  }
0x7c: {  	_ =	swait.ge [sflag:s1], $0xC80  }
0x7d: {  	[sflag:s1] =	ssyncset.done $0x0  }
0x7e: {  	s12 =	sadd.s32 $0xAF0, s6;
	[sflag:s1] =	ssyncadd.s32 $0xFFFFF380  }
0x7f: {  	[hbm4b:s12+s2] =	stream.linear.scatter [tilespmem:s23], [sflag:$0x10], $0xC80, $0x38;
	[tilespmem:$0x8000] =	vst v63  }
.Ltmp3:
0x80: {  	(pc) =	sbr.rel .LBB2_2-.Ltmp3, $4  }
0x81: {  	_ =	swait.ge [sflag:s22], $0xC80  }
0x82: {  	s0 =	sshra.s32 s5, $0x2;
	s5 =	sadd.s32 $0x700, s5;
	[sflag:s22] =	ssyncset.done $0x0  }
0x83: {  	s6 =	sadd.s32 $0xC80, s6;
	s0 =	sadd.s32 $0x348, s0;
	[sflag:s22] =	ssyncadd.s32 $0xFFFFF380  }
0x84: {  	[tilespmem:s23], [sflag:$0x8] =	stream.indirect.gather [hbm4b:s3+s8], $0x40, s0, s8, $0xb8;
	[tilespmem:$0x8000] =	vst v63  }
.LBB2_5:
0x85: {  	_ =	sfence.sel $0x180000  }
0x86: {  	[bflag:$0x0] =	sbarrier.arrive $0xFFFF  }
0x87: {  	_ =	strace $0x90000047  }
0x88: {  	s0 =	stileid.u32;
	[bflag:$0x2] =	sbarrier.arrive $0xFFFF  }
0x89: {  	p0 =	sne.s32 s0, $0x0;
	s0 =	rddreg [dreg:$0x2]  }
0x8a: {  	s0 =	sadd.s32 @!p0 $0x100000, s0  }
0x8b: {  	[sflag:s0] =	ssyncadd.tile.s32 @!p0 $0x1;
	_ =	shalt  }
.Lfunc_end2:
_tile_overlayer_lowered:
.L_overlay_start_2:
0x8c: {  	(tag) =	ssettag $0x2  }
0x8d: {  	s0 =	rddreg [dreg:$0x0];
	s2 =	stileid.u32  }
0x8e: {  	s1 =	rddreg [dreg:$0x1];
	p0 =	sne.s32 s2, $0x0  }
0x8f: {  	s3 =	rddreg [dreg:$0x2];
	[bflag:$0x3] =	sbarrier.arrive $0xFFFF;
	s2 =	simm.s32 @!p0 $0x1C11  }
0x90: {  	[timem:s3], [sflag:s2] =	dma.local @!p0 [hbm:s0], s1  }
0x91: {  	s0 =	simm.s32 @!p0 $0x11  }
0x92: {  	_ =	swait.ge @!p0 [sflag:s0], s1  }
0x93: {  	s1 =	ssub.s32 @!p0 $0x0, s1;
	[sflag:s0] =	ssyncset.done @!p0 $0x0  }
0x94: {  	[sflag:s0] =	ssyncadd.s32 @!p0 s1  }
0x95: {  	[bflag:$0x3] =	sbarrier.arrive $0xFFFF  }
0x96: {  	_ =	shalt  }

// kernel: sparse-core-data-format-call.cloned.1.call-start
scs
called_computation_lowered:
.L_overlay_start_0:
0x0: {  	s2 =	sld [smem:$0x3FD9]  }
0x1: {  	s3 =	sld [smem:$0x3FFE];
	_ =	sdelay $0x1  }
0x2: {  	s1 =	srdreg.scid  }
0x3: {  	s0 =	sand.u32 $0x1, s1  }
0x4: {  	s18 =	sshll.u32 s0, $0xA;
	s2 =	sadd.s32 s3, s2  }
0x5: {  	s2 =	sadd.s32 s2, s18  }
0x6: {  	[smem:$0x3FC6] =	sst s2  }
0x7: {  	_ = 	snop  }
0x8: {  	s2 =	sld [smem:$0x3FD0];
	(tm) =	ssettm $0x1  }
0x9: {  	s19 =	sld [smem:$0x3FFB];
	_ =	sdelay $0x3  }
0xa: {  	_ =	strace s19  }
0xb: {  	s3 =	sld [smem:$0x3FFC];
	_ =	sdelay $0x3  }
0xc: {  	_ =	strace s3  }
0xd: {  	s3 =	sld [smem:$0x3FFD];
	_ =	sdelay $0x3  }
0xe: {  	_ =	strace s3  }
0xf: {  	_ =	strace $0x8FFFFFFF  }
0x10: {  	s20 =	sld [smem:$0x3FDB];
	_ =	sdelay $0x1  }
0x11: {  	s4 =	simm.s32 $_scs_section_size  }
0x12: {  	s5 =	simm.s32 $_size__tile_overlayer_lowered;
	s6 =	simm.s32 $_tile_overlayer_lowered  }
0x13: {  	s23 =	simm.s32 $0x1BFF;
	s22 =	sshll.u32 s6, $0x1;
	s3 =	sadd.s32 s4, s20  }
0x14: {  	s7 =	simm.s32 $0x0;
	s21 =	sshll.u32 s5, $0x1;
	s5 =	sadd.s32 s22, s3  }
0x15: {  	[timem:s7], [sflag:s23] =	dma.local [hbm:s5], s21  }
0x16: {  	_ =	swait.ge [sflag:s23], s21  }
0x17: {  	s4 =	ssub.s32 $0x0, s21;
	[sflag:s23] =	ssyncset.done $0x0  }
0x18: {  	[sflag:s23] =	ssyncadd.s32 s4;
	_ =	sdelay $0x1  }
0x19: {  	s24 =	simm.s32 $0x1B8B  }
0x1a: {  	_ =	swait.ge [sflag:s24], $0x1  }
0x1b: {  	[sflag:s24] =	ssyncset.done $0x0  }
0x1c: {  	s26 =	simm.s32 $0x1B8E;
	s25 =	sld [smem:$0x3FFE];
	[sflag:s24] =	ssyncadd.s32 $0xFFFFFFFF  }
0x1d: {  	s27 =	simm.s32 $execute0_lowered;
	[smem:$0x3FD2] =	sst s26  }
0x1e: {  	s5 =	sshll.u32 s27, $0x1;
	_ =	strace $0x80000049;
	[dreg:$0x1] =	wrdreg $0xFFFFFFFF  }
0x1f: {  	s28 =	simm.s32 $_size_execute0_lowered;
	s3 =	sadd.s32 s3, s5;
	[dreg:$0x0] =	wrdreg $0x0  }
0x20: {  	s5 =	sshll.u32 s28, $0x1;
	[dreg:$0x2] =	wrdreg s3  }
0x21: {  	[dreg:$0x3] =	wrdreg s5  }
0x22: {  	[dreg:$0x4] =	wrdreg $0xC0  }
0x23: {  	_ =	task [dreg:s7], $0x5FFFF  }
0x24: {  	[dreg:$0x1] =	wrdreg $0xFFFFFFFF  }
0x25: {  	[dreg:$0x0] =	wrdreg $0x60  }
0x26: {  	[dreg:$0x2] =	wrdreg s25  }
0x27: {  	[dreg:$0x3] =	wrdreg s2  }
0x28: {  	[dreg:$0x4] =	wrdreg $0x9  }
0x29: {  	_ =	task.clear_ibuf [dreg:s7], $0x5FFFF;
	_ =	strace $0x90000049  }
0x2a: {  	s29 =	simm.s32 $0x9;
	_ =	strace $0x8000004B  }
0x2b: {  	_ =	swait.ge [sflag:s29], $0x1  }
0x2c: {  	[sflag:s29] =	ssyncadd.s32 $0xFFFFFFFF  }
0x2d: {  	_ =	strace $0x9000004B  }
0x2e: {  	_ =	sfence  }
0x2f: {  	s30 =	sld [smem:$0x0];
	_ =	sdelay $0x2  }
0x30: {  	s31 =	sshll.u32 s1, $0xD;
	s1 =	sshrl.u32 s1, $0x2  }
0x31: {  	s3 =	sand.u32 $0x4000, s31;
	s1 =	sadd.s32 s1, s30  }
0x32: {  	s0 =	sor.u32 s3, s0;
	s1 =	sshll.u32 s1, $0x11  }
0x33: {  	s0 =	sor.u32 s1, s0  }
0x34: {  	s0 =	sadd.s32 $0x8F2B, s0  }
0x35: {  	[sflag:s0] =	ssyncadd.remote.s32 $0x1  }
0x36: {  	_ =	sfence.sel $0xFFFF  }
0x37: {  	[dreg:$0x0] =	wrdreg $0xFFFFFFFF;
	(pc) =	sbr.abs _section_cstart, $3  }
0x38: {  	[dreg:$0x1] =	wrdreg $0xFFFFFFFF  }
0x39: {  	_ =	task.clear_ibuf [dreg:s7], $0x2FFFF;
	_ =	strace $0x9FFFFFFF  }
0x3a: {  	(tm) =	ssettm $0x7FFFFFFF  }
0x3b: {  	_ =	shalt  }
tec
execute0_lowered:
.L_overlay_start_1:
0x0: {  	(tag) =	ssettag $0x1  }
0x1: {  	s0 =	srdreg.scid  }
0x2: {  	s1 =	sshll.u32 s0, $0x4  }
0x3: {  	s0 =	stileid.u32;
	s1 =	sand.u32 $0x10, s1  }
0x4: {  	s1 =	sor.u32 s0, s1  }
0x5: {  	s6 =	rddreg [dreg:$0x0];
	s4 =	simm.s32 $0x1;
	s2 =	sshll.u32 s1, $0x7  }
0x6: {  	s7 =	simm.s32 $0x2;
	s12 =	simm.s32 $0x0;
	s1 =	ssub.s32 $0x1000, s2  }
0x7: {  	s8 =	simm.s32 $0x8000;
	s13 =	simm.s32 $0x0;
	s3 =	sand.u32 $0xF80, s1  }
0x8: {  	s9 =	simm.s32 $0x0;
	s5 =	sshrl.u32 s1, $0xC;
	p0 =	sne.s32 s3, $0x0  }
.Ltmp0:
0x9: {  	s1 =	rddreg [dreg:$0x2];
	s4 =	simm.s32 @!p0 $0x0;
	(pc) =	sbr.rel .LBB1_1-.Ltmp0, $4  }
0xa: {  	s11 =	simm.s32 $0x0;
	s3 =	rddreg [dreg:$0x1];
	s5 =	sadd.s32 s4, s5  }
0xb: {  	_ =	strace $0x8000004A;
	s4 =	simm.s32 $0x1;
	s5 =	smul.u32 $0x32, s5  }
0xc: {  	s6 =	sadd.s32 $0xA00, s6;
	s10 =	smov.u32 s2;
	[sflag:s4] =	ssyncpa.u1 $0x0  }
0xd: {  	p0 =	por $0x0, $0x0;
	[sflag:s7] =	ssyncpa.u1 $0x0;
	s7 =	sor.u32 $0x1, s5  }
.LBB1_4:
0xe: {  	s16 =	sshll.u32 s13, $0x3;
	s17 =	sand.u32 $0x78, s13  }
0xf: {  	s30 =	sand.u32 $0x7E00, s13;
	s12 =	sshll.u32 s12, $0xF;
	s16 =	sand.u32 $0xC00, s16  }
0x10: {  	[tilespmem:s15+$0x810 ss:$0x81] =	vst.msk $0xffff, v2;
	s31 =	sand.u32 $0x7, s13;
	s16 =	sor.u32 s17, s16;
	s17 =	sadd.s32 s3, s30  }
0x11: {  	[tilespmem:s15+$0x1020 ss:$0x81] =	vst.msk $0xffff, v0;
	s13 =	sshll.u32 s31, $0x12;
	s12 =	sadd.s32 s12, s17;
	s16 =	sshrl.u32 s16, $0x3  }
0x12: {  	[tilespmem:s15+$0x0 ss:$0x81] =	vst.msk $0xffff, v1;
	s13 =	sor.u32 $0x400, s13;
	s12 =	sadd.s32 s16, s12  }
0x13: {  	[hbm4b:s12+s13] =	stream.strided.scatter [tilespmem:s14], [sflag:$0x2], $0x2000, s8, s13, $0x20;
	[tilespmem:$0x8080] =	vst v63  }
.LBB1_5:
0x14: {  	s14 =	sadd.s32 $0x1, s9  }
0x15: {  	s12 =	sadd.s32 $0x1000, s10;
	s16 =	smov.u32 s10;
	p2 =	sgt.s32 s14, $0x31  }
0x16: {  	s16 =	smov.u32 @p2 s12  }
0x17: {  	s14 =	simm.s32 @p2 $0x0;
	p2 =	sgt.s32 s16, $0xFFF  }
0x18: {  	s16 =	smov.u32 @p2 s2;
	p2 =	sne.s32 s11, s7  }
.Ltmp1:
0x19: {  	p1 =	slt.u32 s11, $0x2;
	(pc) =	sbr.rel @!p2 .LBB1_6-.Ltmp1, $4  }
0x1a: {  	s15 =	simm.s32 @!p1 $0x2  }
0x1b: {  	s13 =	smov.u32 s10;
	p0 =	por !p0, !p0;
	_ =	swait.ge @!p1 [sflag:s15], $0x2000  }
0x1c: {  	s12 =	smov.u32 s9;
	[sflag:s15] =	ssyncset.done @!p1 $0x0;
	s9 =	smov.u32 s14  }
0x1d: {  	s11 =	sadd.s32 $0x1, s11;
	[sflag:s15] =	ssyncadd.s32 @!p1 $0xFFFFE000;
	s10 =	smov.u32 s16  }
.LBB1_1:
0x1e: {  	p1 =	sge.u32 s11, s5  }
0x1f: {  	s14 =	sand.u32 @!p1 $0x1FFFFFF, s9  }
0x20: {  	s15 =	smulhi.u32 @!p1 $0x4924925, s14;
	_ =	sdelay $0x1  }
0x21: {  	s15 =	smul.u32 @!p1 $0x38, s15  }
0x22: {  	s16 =	sxor.u32 @!p1 $0xFFFFFFFF, s11;
	s17 =	smul.u32 @!p1 $0x380, s10  }
0x23: {  	s31 =	sadd.s32 $0xFFFFFFFF, s11;
	s16 =	sshll.u32 @!p1 s16, $0xD;
	s14 =	ssub.s32 @!p1 s14, s15  }
0x24: {  	s15 =	sand.u32 @!p1 $0x2000, s16;
	s16 =	sadd.s32 @!p1 s6, s17;
	s14 =	sshll.u32 @!p1 s14, $0x4  }
0x25: {  	s17 =	simm.s32 @!p1 $0x1C00;
	s14 =	sadd.s32 @!p1 s14, s16;
	s16 =	simm.s32 @!p1 $0x40  }
0x26: {  	[tilespmem:s15], [sflag:$0x1] =	stream.strided.gather @!p1 [hbm4b:s14+s16], $0x2000, s17, s16, $0x38;
	[tilespmem:$0x8080] =	vst v63  }
0x27: {  	p1 =	sge.u32 s31, s5  }
.Ltmp2:
0x28: {  	_ = 	snop;
	(pc) =	sbr.rel @p1 .LBB1_5-.Ltmp2, $1  }
0x29: {  	_ =	sdelay $0x3  }
0x2a: {  	s14 =	simm.s32 $0x1  }
0x2b: {  	_ =	swait.ge [sflag:s4], $0x2000;
	s14 =	simm.s32 @!p0 $0x0  }
0x2c: {  	[sflag:s4] =	ssyncset.done $0x0;
	s15 =	sshll.u32 s14, $0xD  }
0x2d: {  	[sflag:s4] =	ssyncadd.s32 $0xFFFFE000;
	s18 =	sor.u32 $0x20, s15  }
0x2e: {  	s14 =	smul.u32 $0x8100, s14;
	v3 =	vld [tilespmem:s18+$0x10]  }
0x2f: {  	s30 =	sand.u32 $0x1, s11;
	v2 =	vld [tilespmem:s18+$0xFFFFFFF0]  }
0x30: {  	s15 =	smul.u32 $0x8100, s30;
	s14 =	sshrl.u32 s14, $0x2;
	v0 =	vld [tilespmem:s18+$0x0]  }
0x31: {  	v1 =	vld [tilespmem:s18+$0xFFFFFFE0];
	s16 =	sor.u32 $0x4000, s14  }
0x32: {  	s31 =	sshrl.u32 s15, $0x2;
	s15 =	sadd.s32 $0x0, s16  }
0x33: {  	s17 =	simm.s32 $0x4;
	s18 =	sadd.s32 $0x40, s18;
	s14 =	sor.u32 $0x4000, s31;
	[tilespmem:s15+$0x1830 ss:$0x81] =	vst.msk $0xffff, v3  }
.LBB1_3:
0x34: {  	v3 =	vld [tilespmem:s18+$0x10];
	p1 =	sne.s32 s17, $0x1FC;
	[tilespmem:s15+$0x810 ss:$0x81] =	vst.msk $0xffff, v2;
	s19 =	smov.u32 s17;
	s17 =	sadd.s32 $0x4, s17  }
.Ltmp3:
0x35: {  	v2 =	vld [tilespmem:s18+$0xFFFFFFF0];
	[tilespmem:s15+$0x1020 ss:$0x81] =	vst.msk $0xffff, v0;
	(pc) =	sbr.rel @p1 .LBB1_3-.Ltmp3, $4  }
0x36: {  	v0 =	vld [tilespmem:s18+$0x0];
	[tilespmem:s15+$0x0 ss:$0x81] =	vst.msk $0xffff, v1  }
0x37: {  	s15 =	sshra.s32 s19, $0x2;
	v1 =	vld [tilespmem:s18+$0xFFFFFFE0]  }
0x38: {  	s15 =	sadd.s32 s15, s16  }
0x39: {  	s18 =	sadd.s32 $0x40, s18;
	[tilespmem:s15+$0x1830 ss:$0x81] =	vst.msk $0xffff, v3  }
.Ltmp4:
0x3a: {  	_ = 	snop;
	(pc) =	sbr.rel .LBB1_4-.Ltmp4, $1  }
0x3b: {  	_ =	sdelay $0x3  }
.LBB1_6:
0x3c: {  	_ =	sfence.sel $0x180000  }
0x3d: {  	s2 =	simm.s32 $0x1;
	[bflag:$0x0] =	sbarrier.arrive $0xFFFF  }
0x3e: {  	s31 =	simm.s32 $0x2;
	[sflag:s2] =	ssyncpa.u1 $0x1  }
0x3f: {  	[sflag:s31] =	ssyncpa.u1 $0x1  }
0x40: {  	p0 =	sne.s32 s0, $0x0;
	_ =	strace $0x9000004A  }
0x41: {  	s0 =	sadd.s32 @!p0 $0x100000, s1;
	[bflag:$0x2] =	sbarrier.arrive $0xFFFF  }
0x42: {  	[sflag:s0] =	ssyncadd.tile.s32 @!p0 $0x1;
	_ =	shalt  }
.Lfunc_end1:
_tile_overlayer_lowered:
.L_overlay_start_2:
0x43: {  	(tag) =	ssettag $0x2  }
0x44: {  	s0 =	rddreg [dreg:$0x0];
	s2 =	stileid.u32  }
0x45: {  	s1 =	rddreg [dreg:$0x1];
	p0 =	sne.s32 s2, $0x0  }
0x46: {  	s3 =	rddreg [dreg:$0x2];
	[bflag:$0x3] =	sbarrier.arrive $0xFFFF;
	s2 =	simm.s32 @!p0 $0x1C01  }
0x47: {  	[timem:s3], [sflag:s2] =	dma.local @!p0 [hbm:s0], s1  }
0x48: {  	s0 =	simm.s32 @!p0 $0x1  }
0x49: {  	_ =	swait.ge @!p0 [sflag:s0], s1  }
0x4a: {  	s1 =	ssub.s32 @!p0 $0x0, s1;
	[sflag:s0] =	ssyncset.done @!p0 $0x0  }
0x4b: {  	[sflag:s0] =	ssyncadd.s32 @!p0 s1  }
0x4c: {  	[bflag:$0x3] =	sbarrier.arrive $0xFFFF  }
0x4d: {  	_ =	shalt  }

</sc_bundles>
